<compile_context>
chip_gen: v7x
topology: tpu7x:2x2x1
jax: 0.10.2.dev20260603
libtpu: 0.0.44.dev20260713+nightly
codegen_flags: <defaults>
</compile_context>

<pallas_src>
import functools

import jax
import jax.numpy as jnp
from jax import lax
from jax.experimental import pallas as pl
from jax.experimental.pallas import tpu as pltpu
from jax.experimental.pallas import tpu_sc as plsc

B = 16384
VR = 1000
VC = 1000
D = 64

NC = 2
NS = 16
L = 16
NW = NC * NS
BPW = B // NW
NSEG = 4
SEG = BPW // NSEG
GROUPS = BPW // L
GPS = SEG // L


def _body(row_hbm, col_hbm, remb_hbm, cemb_hbm, rbias_hbm, cbias_hbm, out_hbm,
          ridx_v, cidx_v, rrows_v, crows_v, rbias_v, cbias_v, out_v, sem):
    wid = lax.axis_index("s") * NC + lax.axis_index("c")
    base = wid * BPW

    pltpu.sync_copy(row_hbm.at[wid], ridx_v)
    pltpu.sync_copy(col_hbm.at[wid], cidx_v)

    copies = []
    for j in range(NSEG):
        copies.append(pltpu.async_copy(remb_hbm.at[ridx_v.at[j]], rrows_v.at[j], sem))
        copies.append(pltpu.async_copy(cemb_hbm.at[cidx_v.at[j]], crows_v.at[j], sem))
    pltpu.sync_copy(rbias_hbm, rbias_v)
    pltpu.sync_copy(cbias_hbm, cbias_v)
    for c in copies:
        c.wait()

    lane = lax.iota(jnp.int32, L)

    def group(g, carry):
        seg = g // GPS
        off = (g % GPS) * L
        ridx16 = ridx_v[seg, pl.ds(off, L)]
        cidx16 = cidx_v[seg, pl.ds(off, L)]
        acc = plsc.load_gather(rbias_v, [ridx16]) + plsc.load_gather(cbias_v, [cidx16])
        for j in range(L):
            p = off + j
            v = rrows_v[seg, p, pl.ds(0, L)] * crows_v[seg, p, pl.ds(0, L)]
            for k in range(1, D // L):
                v = v + rrows_v[seg, p, pl.ds(k * L, L)] * crows_v[seg, p, pl.ds(k * L, L)]
            s = jnp.sum(v)
            acc = jnp.where(lane == j, acc + s, acc)
        out_v[pl.ds(g * L, L)] = acc
        return carry

    lax.fori_loop(0, GROUPS, group, 0)

    pltpu.sync_copy(out_v, out_hbm.at[pl.ds(base, BPW)])


_sc_call = functools.partial(
    pl.kernel,
    mesh=plsc.VectorSubcoreMesh(core_axis_name="c", subcore_axis_name="s"),
    out_type=jax.ShapeDtypeStruct((B,), jnp.float32),
    compiler_params=pltpu.CompilerParams(
        needs_layout_passes=False, use_tc_tiling_on_sc=False),
    scratch_types=[
        pltpu.VMEM((NSEG, SEG), jnp.int32),
        pltpu.VMEM((NSEG, SEG), jnp.int32),
        pltpu.VMEM((NSEG, SEG, D), jnp.float32),
        pltpu.VMEM((NSEG, SEG, D), jnp.float32),
        pltpu.VMEM((VR,), jnp.float32),
        pltpu.VMEM((VC,), jnp.float32),
        pltpu.VMEM((BPW,), jnp.float32),
        pltpu.SemaphoreType.DMA,
    ],
)(_body)


def kernel(row, col, row_emb, col_emb, row_bias, col_bias):
    row3 = row.astype(jnp.int32).reshape(NW, NSEG, SEG)
    col3 = col.astype(jnp.int32).reshape(NW, NSEG, SEG)
    rbias = row_bias.reshape(VR)
    cbias = col_bias.reshape(VC)
    out = _sc_call(row3, col3, row_emb, col_emb, rbias, cbias)
    return out.reshape(B, 1)

# --- scband reference (transcript-rebuilt; emitter-appended) ---
"""Pipeline reference for scband-matrix-factorization-67061619359970 (READ-ONLY COPY).

The authoritative reference and input builder live on the scoring server;
editing this copy changes nothing except your own understanding.
"""

import jax, jax.numpy as jnp
import numpy as np

B = 16384
VR = 1000
VC = 1000
D = 64

def setup_inputs(seed: int = 0) -> dict:
    key = jax.random.key(seed)
    k1, k2, k3, k4, k5, k6 = jax.random.split(key, 6)
    return {
        "row": jax.random.randint(k1, (B,), 0, VR, dtype=jnp.int64 if jax.config.jax_enable_x64 else jnp.int32),
        "col": jax.random.randint(k2, (B,), 0, VC, dtype=jnp.int64 if jax.config.jax_enable_x64 else jnp.int32),
        "row_emb": jax.random.normal(k3, (VR, D), dtype=jnp.float32),
        "col_emb": jax.random.normal(k4, (VC, D), dtype=jnp.float32),
        "row_bias": jax.random.normal(k5, (VR, 1), dtype=jnp.float32),
        "col_bias": jax.random.normal(k6, (VC, 1), dtype=jnp.float32),
    }

def reference(row, col, row_emb, col_emb, row_bias, col_bias):
    # pred = row_biases(row) + col_biases(col)
    pred = jnp.take(row_bias, row, axis=0) + jnp.take(col_bias, col, axis=0)
    # pred += (row_embeddings(row) * col_embeddings(col)).sum(dim=1, keepdim=True)
    pred = pred + jnp.sum(jnp.take(row_emb, row, axis=0) * jnp.take(col_emb, col, axis=0), axis=1, keepdims=True)
    return pred

if __name__ == "__main__":
    import jax
    _d = setup_inputs()
    print(jax.jit(kernel)(*tuple(_d.values())))

</pallas_src>

<mosaic_0001>
#map = affine_map<(d0, d1) -> (0, 0, 0)>
#map1 = affine_map<(d0, d1) -> (0, 0)>
#map2 = affine_map<(d0, d1) -> (0)>
module attributes {stable_mosaic.version = 14 : i64} {
  func.func @_body(%arg0: i32, %arg1: i32, %arg2: memref<32x4x128xi32, #tpu.memory_space<hbm>>, %arg3: memref<32x4x128xi32, #tpu.memory_space<hbm>>, %arg4: memref<1000x64xf32, #tpu.memory_space<hbm>>, %arg5: memref<1000x64xf32, #tpu.memory_space<hbm>>, %arg6: memref<1000xf32, #tpu.memory_space<hbm>>, %arg7: memref<1000xf32, #tpu.memory_space<hbm>>, %arg8: memref<16384xf32, #tpu.memory_space<hbm>>, %arg9: memref<4x128xi32, #tpu.memory_space<vmem>>, %arg10: memref<4x128xi32, #tpu.memory_space<vmem>>, %arg11: memref<4x128x64xf32, #tpu.memory_space<vmem>>, %arg12: memref<4x128x64xf32, #tpu.memory_space<vmem>>, %arg13: memref<1000xf32, #tpu.memory_space<vmem>>, %arg14: memref<1000xf32, #tpu.memory_space<vmem>>, %arg15: memref<512xf32, #tpu.memory_space<vmem>>, %arg16: memref<!tpu.dma_semaphore, #tpu.memory_space<semaphore_mem>>) attributes {dimension_semantics = [#tpu.dimension_semantics<core_parallel>, #tpu.dimension_semantics<subcore_parallel>], iteration_bounds = array<i64: 2, 16>, scalar_prefetch = 0 : i64, scratch_operands = 8 : i64, tpu.core_type = #tpu.core_type<sc_vector_subcore>, window_params = [{transform_indices = #map}, {transform_indices = #map}, {transform_indices = #map1}, {transform_indices = #map1}, {transform_indices = #map2}, {transform_indices = #map2}, {transform_indices = #map2}]} {
    %mul3A = arith.constant 2 : i32
    %mul3A_0 = arith.muli %arg1, %mul3A : i32
    %add3A = arith.addi %mul3A_0, %arg0 : i32
    %mul3A_1 = arith.constant 512 : i32
    %mul3A_2 = arith.muli %add3A, %mul3A_1 : i32
    "tpu.region"() ({
      %run_scoped3A = tpu.sem_alloc : memref<!tpu.dma_semaphore, #tpu.memory_space<semaphore_mem>>
      %dma_start3A_198 = arith.constant 0 : i32
      %dma_start3A_199 = arith.constant 0 : i32
      %dma_start3A_200 = tpu.memref_slice %arg2[%add3A, %dma_start3A_198, %dma_start3A_199] : memref<32x4x128xi32, #tpu.memory_space<hbm>> -> memref<1x4x128xi32, #tpu.memory_space<hbm>>
      %dma_start3A_201 = tpu.memref_squeeze %dma_start3A_200 : memref<1x4x128xi32, #tpu.memory_space<hbm>> -> memref<4x128xi32, #tpu.memory_space<hbm>>
      %dma_start3A_202 = arith.constant 0 : i32
      %dma_start3A_203 = arith.constant 0 : i32
      %dma_start3A_204 = tpu.memref_slice %arg2[%add3A, %dma_start3A_202, %dma_start3A_203] : memref<32x4x128xi32, #tpu.memory_space<hbm>> -> memref<1x4x128xi32, #tpu.memory_space<hbm>>
      %dma_start3A_205 = tpu.memref_squeeze %dma_start3A_204 : memref<1x4x128xi32, #tpu.memory_space<hbm>> -> memref<4x128xi32, #tpu.memory_space<hbm>>
      tpu.enqueue_dma source(%dma_start3A_205 : memref<4x128xi32, #tpu.memory_space<hbm>>) target(%arg9 : memref<4x128xi32, #tpu.memory_space<vmem>>) target_semaphore(%run_scoped3A : memref<!tpu.dma_semaphore, #tpu.memory_space<semaphore_mem>>)
      %dma_wait3A_206 = arith.constant 0 : i32
      %dma_wait3A_207 = arith.constant 0 : i32
      %dma_wait3A_208 = tpu.memref_slice %arg2[%add3A, %dma_wait3A_206, %dma_wait3A_207] : memref<32x4x128xi32, #tpu.memory_space<hbm>> -> memref<1x4x128xi32, #tpu.memory_space<hbm>>
      %dma_wait3A_209 = tpu.memref_squeeze %dma_wait3A_208 : memref<1x4x128xi32, #tpu.memory_space<hbm>> -> memref<4x128xi32, #tpu.memory_space<hbm>>
      %dma_wait3A_210 = arith.constant 0 : i32
      %dma_wait3A_211 = arith.constant 0 : i32
      %dma_wait3A_212 = tpu.memref_slice %arg2[%add3A, %dma_wait3A_210, %dma_wait3A_211] : memref<32x4x128xi32, #tpu.memory_space<hbm>> -> memref<1x4x128xi32, #tpu.memory_space<hbm>>
      %dma_wait3A_213 = tpu.memref_squeeze %dma_wait3A_212 : memref<1x4x128xi32, #tpu.memory_space<hbm>> -> memref<4x128xi32, #tpu.memory_space<hbm>>
      tpu.wait_dma2 semaphore(%run_scoped3A : memref<!tpu.dma_semaphore, #tpu.memory_space<semaphore_mem>>) src(%dma_wait3A_213 : memref<4x128xi32, #tpu.memory_space<hbm>>) dst(%arg9 : memref<4x128xi32, #tpu.memory_space<vmem>>)
      tpu.yield
    }) : () -> ()
    "tpu.region"() ({
      %run_scoped3A = tpu.sem_alloc : memref<!tpu.dma_semaphore, #tpu.memory_space<semaphore_mem>>
      %dma_start3A_198 = arith.constant 0 : i32
      %dma_start3A_199 = arith.constant 0 : i32
      %dma_start3A_200 = tpu.memref_slice %arg3[%add3A, %dma_start3A_198, %dma_start3A_199] : memref<32x4x128xi32, #tpu.memory_space<hbm>> -> memref<1x4x128xi32, #tpu.memory_space<hbm>>
      %dma_start3A_201 = tpu.memref_squeeze %dma_start3A_200 : memref<1x4x128xi32, #tpu.memory_space<hbm>> -> memref<4x128xi32, #tpu.memory_space<hbm>>
      %dma_start3A_202 = arith.constant 0 : i32
      %dma_start3A_203 = arith.constant 0 : i32
      %dma_start3A_204 = tpu.memref_slice %arg3[%add3A, %dma_start3A_202, %dma_start3A_203] : memref<32x4x128xi32, #tpu.memory_space<hbm>> -> memref<1x4x128xi32, #tpu.memory_space<hbm>>
      %dma_start3A_205 = tpu.memref_squeeze %dma_start3A_204 : memref<1x4x128xi32, #tpu.memory_space<hbm>> -> memref<4x128xi32, #tpu.memory_space<hbm>>
      tpu.enqueue_dma source(%dma_start3A_205 : memref<4x128xi32, #tpu.memory_space<hbm>>) target(%arg10 : memref<4x128xi32, #tpu.memory_space<vmem>>) target_semaphore(%run_scoped3A : memref<!tpu.dma_semaphore, #tpu.memory_space<semaphore_mem>>)
      %dma_wait3A_206 = arith.constant 0 : i32
      %dma_wait3A_207 = arith.constant 0 : i32
      %dma_wait3A_208 = tpu.memref_slice %arg3[%add3A, %dma_wait3A_206, %dma_wait3A_207] : memref<32x4x128xi32, #tpu.memory_space<hbm>> -> memref<1x4x128xi32, #tpu.memory_space<hbm>>
      %dma_wait3A_209 = tpu.memref_squeeze %dma_wait3A_208 : memref<1x4x128xi32, #tpu.memory_space<hbm>> -> memref<4x128xi32, #tpu.memory_space<hbm>>
      %dma_wait3A_210 = arith.constant 0 : i32
      %dma_wait3A_211 = arith.constant 0 : i32
      %dma_wait3A_212 = tpu.memref_slice %arg3[%add3A, %dma_wait3A_210, %dma_wait3A_211] : memref<32x4x128xi32, #tpu.memory_space<hbm>> -> memref<1x4x128xi32, #tpu.memory_space<hbm>>
      %dma_wait3A_213 = tpu.memref_squeeze %dma_wait3A_212 : memref<1x4x128xi32, #tpu.memory_space<hbm>> -> memref<4x128xi32, #tpu.memory_space<hbm>>
      tpu.wait_dma2 semaphore(%run_scoped3A : memref<!tpu.dma_semaphore, #tpu.memory_space<semaphore_mem>>) src(%dma_wait3A_213 : memref<4x128xi32, #tpu.memory_space<hbm>>) dst(%arg10 : memref<4x128xi32, #tpu.memory_space<vmem>>)
      tpu.yield
    }) : () -> ()
    %dma_start3A = arith.constant 0 : i32
    %dma_start3A_3 = arith.constant 0 : i32
    %dma_start3A_4 = arith.constant 0 : i32
    %dma_start3A_5 = arith.constant 0 : i32
    %dma_start3A_6 = tpu.memref_slice %arg11[%dma_start3A_3, %dma_start3A_4, %dma_start3A_5] : memref<4x128x64xf32, #tpu.memory_space<vmem>> -> memref<1x128x64xf32, #tpu.memory_space<vmem>>
    %dma_start3A_7 = tpu.memref_squeeze %dma_start3A_6 : memref<1x128x64xf32, #tpu.memory_space<vmem>> -> memref<128x64xf32, #tpu.memory_space<vmem>>
    %dma_start3A_8 = arith.constant 0 : i32
    %dma_start3A_9 = tpu.memref_slice %arg9[%dma_start3A, %dma_start3A_8] : memref<4x128xi32, #tpu.memory_space<vmem>> -> memref<1x128xi32, #tpu.memory_space<vmem>>
    %dma_start3A_10 = tpu.memref_squeeze %dma_start3A_9 : memref<1x128xi32, #tpu.memory_space<vmem>> -> memref<128xi32, #tpu.memory_space<vmem>>
    %dma_start3A_11 = arith.constant 0 : i32
    %dma_start3A_12 = arith.constant 0 : i32
    %dma_start3A_13 = tpu.memref_slice %arg4[%dma_start3A_11, %dma_start3A_12] : memref<1000x64xf32, #tpu.memory_space<hbm>> -> memref<1000x64xf32, #tpu.memory_space<hbm>>
    tpu.enqueue_indirect_dma source(%dma_start3A_13 : memref<1000x64xf32, #tpu.memory_space<hbm>>) target(%dma_start3A_7 : memref<128x64xf32, #tpu.memory_space<vmem>>) offsets(%dma_start3A_10 : memref<128xi32, #tpu.memory_space<vmem>>) semaphore(%arg16 : memref<!tpu.dma_semaphore, #tpu.memory_space<semaphore_mem>>)
    %dma_start3A_14 = arith.constant 0 : i32
    %dma_start3A_15 = arith.constant 0 : i32
    %dma_start3A_16 = arith.constant 0 : i32
    %dma_start3A_17 = arith.constant 0 : i32
    %dma_start3A_18 = tpu.memref_slice %arg12[%dma_start3A_15, %dma_start3A_16, %dma_start3A_17] : memref<4x128x64xf32, #tpu.memory_space<vmem>> -> memref<1x128x64xf32, #tpu.memory_space<vmem>>
    %dma_start3A_19 = tpu.memref_squeeze %dma_start3A_18 : memref<1x128x64xf32, #tpu.memory_space<vmem>> -> memref<128x64xf32, #tpu.memory_space<vmem>>
    %dma_start3A_20 = arith.constant 0 : i32
    %dma_start3A_21 = tpu.memref_slice %arg10[%dma_start3A_14, %dma_start3A_20] : memref<4x128xi32, #tpu.memory_space<vmem>> -> memref<1x128xi32, #tpu.memory_space<vmem>>
    %dma_start3A_22 = tpu.memref_squeeze %dma_start3A_21 : memref<1x128xi32, #tpu.memory_space<vmem>> -> memref<128xi32, #tpu.memory_space<vmem>>
    %dma_start3A_23 = arith.constant 0 : i32
    %dma_start3A_24 = arith.constant 0 : i32
    %dma_start3A_25 = tpu.memref_slice %arg5[%dma_start3A_23, %dma_start3A_24] : memref<1000x64xf32, #tpu.memory_space<hbm>> -> memref<1000x64xf32, #tpu.memory_space<hbm>>
    tpu.enqueue_indirect_dma source(%dma_start3A_25 : memref<1000x64xf32, #tpu.memory_space<hbm>>) target(%dma_start3A_19 : memref<128x64xf32, #tpu.memory_space<vmem>>) offsets(%dma_start3A_22 : memref<128xi32, #tpu.memory_space<vmem>>) semaphore(%arg16 : memref<!tpu.dma_semaphore, #tpu.memory_space<semaphore_mem>>)
    %dma_start3A_26 = arith.constant 1 : i32
    %dma_start3A_27 = arith.constant 1 : i32
    %dma_start3A_28 = arith.constant 0 : i32
    %dma_start3A_29 = arith.constant 0 : i32
    %dma_start3A_30 = tpu.memref_slice %arg11[%dma_start3A_27, %dma_start3A_28, %dma_start3A_29] : memref<4x128x64xf32, #tpu.memory_space<vmem>> -> memref<1x128x64xf32, #tpu.memory_space<vmem>>
    %dma_start3A_31 = tpu.memref_squeeze %dma_start3A_30 : memref<1x128x64xf32, #tpu.memory_space<vmem>> -> memref<128x64xf32, #tpu.memory_space<vmem>>
    %dma_start3A_32 = arith.constant 0 : i32
    %dma_start3A_33 = tpu.memref_slice %arg9[%dma_start3A_26, %dma_start3A_32] : memref<4x128xi32, #tpu.memory_space<vmem>> -> memref<1x128xi32, #tpu.memory_space<vmem>>
    %dma_start3A_34 = tpu.memref_squeeze %dma_start3A_33 : memref<1x128xi32, #tpu.memory_space<vmem>> -> memref<128xi32, #tpu.memory_space<vmem>>
    %dma_start3A_35 = arith.constant 0 : i32
    %dma_start3A_36 = arith.constant 0 : i32
    %dma_start3A_37 = tpu.memref_slice %arg4[%dma_start3A_35, %dma_start3A_36] : memref<1000x64xf32, #tpu.memory_space<hbm>> -> memref<1000x64xf32, #tpu.memory_space<hbm>>
    tpu.enqueue_indirect_dma source(%dma_start3A_37 : memref<1000x64xf32, #tpu.memory_space<hbm>>) target(%dma_start3A_31 : memref<128x64xf32, #tpu.memory_space<vmem>>) offsets(%dma_start3A_34 : memref<128xi32, #tpu.memory_space<vmem>>) semaphore(%arg16 : memref<!tpu.dma_semaphore, #tpu.memory_space<semaphore_mem>>)
    %dma_start3A_38 = arith.constant 1 : i32
    %dma_start3A_39 = arith.constant 1 : i32
    %dma_start3A_40 = arith.constant 0 : i32
    %dma_start3A_41 = arith.constant 0 : i32
    %dma_start3A_42 = tpu.memref_slice %arg12[%dma_start3A_39, %dma_start3A_40, %dma_start3A_41] : memref<4x128x64xf32, #tpu.memory_space<vmem>> -> memref<1x128x64xf32, #tpu.memory_space<vmem>>
    %dma_start3A_43 = tpu.memref_squeeze %dma_start3A_42 : memref<1x128x64xf32, #tpu.memory_space<vmem>> -> memref<128x64xf32, #tpu.memory_space<vmem>>
    %dma_start3A_44 = arith.constant 0 : i32
    %dma_start3A_45 = tpu.memref_slice %arg10[%dma_start3A_38, %dma_start3A_44] : memref<4x128xi32, #tpu.memory_space<vmem>> -> memref<1x128xi32, #tpu.memory_space<vmem>>
    %dma_start3A_46 = tpu.memref_squeeze %dma_start3A_45 : memref<1x128xi32, #tpu.memory_space<vmem>> -> memref<128xi32, #tpu.memory_space<vmem>>
    %dma_start3A_47 = arith.constant 0 : i32
    %dma_start3A_48 = arith.constant 0 : i32
    %dma_start3A_49 = tpu.memref_slice %arg5[%dma_start3A_47, %dma_start3A_48] : memref<1000x64xf32, #tpu.memory_space<hbm>> -> memref<1000x64xf32, #tpu.memory_space<hbm>>
    tpu.enqueue_indirect_dma source(%dma_start3A_49 : memref<1000x64xf32, #tpu.memory_space<hbm>>) target(%dma_start3A_43 : memref<128x64xf32, #tpu.memory_space<vmem>>) offsets(%dma_start3A_46 : memref<128xi32, #tpu.memory_space<vmem>>) semaphore(%arg16 : memref<!tpu.dma_semaphore, #tpu.memory_space<semaphore_mem>>)
    %dma_start3A_50 = arith.constant 2 : i32
    %dma_start3A_51 = arith.constant 2 : i32
    %dma_start3A_52 = arith.constant 0 : i32
    %dma_start3A_53 = arith.constant 0 : i32
    %dma_start3A_54 = tpu.memref_slice %arg11[%dma_start3A_51, %dma_start3A_52, %dma_start3A_53] : memref<4x128x64xf32, #tpu.memory_space<vmem>> -> memref<1x128x64xf32, #tpu.memory_space<vmem>>
    %dma_start3A_55 = tpu.memref_squeeze %dma_start3A_54 : memref<1x128x64xf32, #tpu.memory_space<vmem>> -> memref<128x64xf32, #tpu.memory_space<vmem>>
    %dma_start3A_56 = arith.constant 0 : i32
    %dma_start3A_57 = tpu.memref_slice %arg9[%dma_start3A_50, %dma_start3A_56] : memref<4x128xi32, #tpu.memory_space<vmem>> -> memref<1x128xi32, #tpu.memory_space<vmem>>
    %dma_start3A_58 = tpu.memref_squeeze %dma_start3A_57 : memref<1x128xi32, #tpu.memory_space<vmem>> -> memref<128xi32, #tpu.memory_space<vmem>>
    %dma_start3A_59 = arith.constant 0 : i32
    %dma_start3A_60 = arith.constant 0 : i32
    %dma_start3A_61 = tpu.memref_slice %arg4[%dma_start3A_59, %dma_start3A_60] : memref<1000x64xf32, #tpu.memory_space<hbm>> -> memref<1000x64xf32, #tpu.memory_space<hbm>>
    tpu.enqueue_indirect_dma source(%dma_start3A_61 : memref<1000x64xf32, #tpu.memory_space<hbm>>) target(%dma_start3A_55 : memref<128x64xf32, #tpu.memory_space<vmem>>) offsets(%dma_start3A_58 : memref<128xi32, #tpu.memory_space<vmem>>) semaphore(%arg16 : memref<!tpu.dma_semaphore, #tpu.memory_space<semaphore_mem>>)
    %dma_start3A_62 = arith.constant 2 : i32
    %dma_start3A_63 = arith.constant 2 : i32
    %dma_start3A_64 = arith.constant 0 : i32
    %dma_start3A_65 = arith.constant 0 : i32
    %dma_start3A_66 = tpu.memref_slice %arg12[%dma_start3A_63, %dma_start3A_64, %dma_start3A_65] : memref<4x128x64xf32, #tpu.memory_space<vmem>> -> memref<1x128x64xf32, #tpu.memory_space<vmem>>
    %dma_start3A_67 = tpu.memref_squeeze %dma_start3A_66 : memref<1x128x64xf32, #tpu.memory_space<vmem>> -> memref<128x64xf32, #tpu.memory_space<vmem>>
    %dma_start3A_68 = arith.constant 0 : i32
    %dma_start3A_69 = tpu.memref_slice %arg10[%dma_start3A_62, %dma_start3A_68] : memref<4x128xi32, #tpu.memory_space<vmem>> -> memref<1x128xi32, #tpu.memory_space<vmem>>
    %dma_start3A_70 = tpu.memref_squeeze %dma_start3A_69 : memref<1x128xi32, #tpu.memory_space<vmem>> -> memref<128xi32, #tpu.memory_space<vmem>>
    %dma_start3A_71 = arith.constant 0 : i32
    %dma_start3A_72 = arith.constant 0 : i32
    %dma_start3A_73 = tpu.memref_slice %arg5[%dma_start3A_71, %dma_start3A_72] : memref<1000x64xf32, #tpu.memory_space<hbm>> -> memref<1000x64xf32, #tpu.memory_space<hbm>>
    tpu.enqueue_indirect_dma source(%dma_start3A_73 : memref<1000x64xf32, #tpu.memory_space<hbm>>) target(%dma_start3A_67 : memref<128x64xf32, #tpu.memory_space<vmem>>) offsets(%dma_start3A_70 : memref<128xi32, #tpu.memory_space<vmem>>) semaphore(%arg16 : memref<!tpu.dma_semaphore, #tpu.memory_space<semaphore_mem>>)
    %dma_start3A_74 = arith.constant 3 : i32
    %dma_start3A_75 = arith.constant 3 : i32
    %dma_start3A_76 = arith.constant 0 : i32
    %dma_start3A_77 = arith.constant 0 : i32
    %dma_start3A_78 = tpu.memref_slice %arg11[%dma_start3A_75, %dma_start3A_76, %dma_start3A_77] : memref<4x128x64xf32, #tpu.memory_space<vmem>> -> memref<1x128x64xf32, #tpu.memory_space<vmem>>
    %dma_start3A_79 = tpu.memref_squeeze %dma_start3A_78 : memref<1x128x64xf32, #tpu.memory_space<vmem>> -> memref<128x64xf32, #tpu.memory_space<vmem>>
    %dma_start3A_80 = arith.constant 0 : i32
    %dma_start3A_81 = tpu.memref_slice %arg9[%dma_start3A_74, %dma_start3A_80] : memref<4x128xi32, #tpu.memory_space<vmem>> -> memref<1x128xi32, #tpu.memory_space<vmem>>
    %dma_start3A_82 = tpu.memref_squeeze %dma_start3A_81 : memref<1x128xi32, #tpu.memory_space<vmem>> -> memref<128xi32, #tpu.memory_space<vmem>>
    %dma_start3A_83 = arith.constant 0 : i32
    %dma_start3A_84 = arith.constant 0 : i32
    %dma_start3A_85 = tpu.memref_slice %arg4[%dma_start3A_83, %dma_start3A_84] : memref<1000x64xf32, #tpu.memory_space<hbm>> -> memref<1000x64xf32, #tpu.memory_space<hbm>>
    tpu.enqueue_indirect_dma source(%dma_start3A_85 : memref<1000x64xf32, #tpu.memory_space<hbm>>) target(%dma_start3A_79 : memref<128x64xf32, #tpu.memory_space<vmem>>) offsets(%dma_start3A_82 : memref<128xi32, #tpu.memory_space<vmem>>) semaphore(%arg16 : memref<!tpu.dma_semaphore, #tpu.memory_space<semaphore_mem>>)
    %dma_start3A_86 = arith.constant 3 : i32
    %dma_start3A_87 = arith.constant 3 : i32
    %dma_start3A_88 = arith.constant 0 : i32
    %dma_start3A_89 = arith.constant 0 : i32
    %dma_start3A_90 = tpu.memref_slice %arg12[%dma_start3A_87, %dma_start3A_88, %dma_start3A_89] : memref<4x128x64xf32, #tpu.memory_space<vmem>> -> memref<1x128x64xf32, #tpu.memory_space<vmem>>
    %dma_start3A_91 = tpu.memref_squeeze %dma_start3A_90 : memref<1x128x64xf32, #tpu.memory_space<vmem>> -> memref<128x64xf32, #tpu.memory_space<vmem>>
    %dma_start3A_92 = arith.constant 0 : i32
    %dma_start3A_93 = tpu.memref_slice %arg10[%dma_start3A_86, %dma_start3A_92] : memref<4x128xi32, #tpu.memory_space<vmem>> -> memref<1x128xi32, #tpu.memory_space<vmem>>
    %dma_start3A_94 = tpu.memref_squeeze %dma_start3A_93 : memref<1x128xi32, #tpu.memory_space<vmem>> -> memref<128xi32, #tpu.memory_space<vmem>>
    %dma_start3A_95 = arith.constant 0 : i32
    %dma_start3A_96 = arith.constant 0 : i32
    %dma_start3A_97 = tpu.memref_slice %arg5[%dma_start3A_95, %dma_start3A_96] : memref<1000x64xf32, #tpu.memory_space<hbm>> -> memref<1000x64xf32, #tpu.memory_space<hbm>>
    tpu.enqueue_indirect_dma source(%dma_start3A_97 : memref<1000x64xf32, #tpu.memory_space<hbm>>) target(%dma_start3A_91 : memref<128x64xf32, #tpu.memory_space<vmem>>) offsets(%dma_start3A_94 : memref<128xi32, #tpu.memory_space<vmem>>) semaphore(%arg16 : memref<!tpu.dma_semaphore, #tpu.memory_space<semaphore_mem>>)
    "tpu.region"() ({
      %run_scoped3A = tpu.sem_alloc : memref<!tpu.dma_semaphore, #tpu.memory_space<semaphore_mem>>
      tpu.enqueue_dma source(%arg6 : memref<1000xf32, #tpu.memory_space<hbm>>) target(%arg13 : memref<1000xf32, #tpu.memory_space<vmem>>) target_semaphore(%run_scoped3A : memref<!tpu.dma_semaphore, #tpu.memory_space<semaphore_mem>>)
      tpu.wait_dma2 semaphore(%run_scoped3A : memref<!tpu.dma_semaphore, #tpu.memory_space<semaphore_mem>>) src(%arg6 : memref<1000xf32, #tpu.memory_space<hbm>>) dst(%arg13 : memref<1000xf32, #tpu.memory_space<vmem>>)
      tpu.yield
    }) : () -> ()
    "tpu.region"() ({
      %run_scoped3A = tpu.sem_alloc : memref<!tpu.dma_semaphore, #tpu.memory_space<semaphore_mem>>
      tpu.enqueue_dma source(%arg7 : memref<1000xf32, #tpu.memory_space<hbm>>) target(%arg14 : memref<1000xf32, #tpu.memory_space<vmem>>) target_semaphore(%run_scoped3A : memref<!tpu.dma_semaphore, #tpu.memory_space<semaphore_mem>>)
      tpu.wait_dma2 semaphore(%run_scoped3A : memref<!tpu.dma_semaphore, #tpu.memory_space<semaphore_mem>>) src(%arg7 : memref<1000xf32, #tpu.memory_space<hbm>>) dst(%arg14 : memref<1000xf32, #tpu.memory_space<vmem>>)
      tpu.yield
    }) : () -> ()
    %dma_wait3A = arith.constant 0 : i32
    %dma_wait3A_98 = arith.constant 0 : i32
    %dma_wait3A_99 = arith.constant 0 : i32
    %dma_wait3A_100 = arith.constant 0 : i32
    %dma_wait3A_101 = tpu.memref_slice %arg11[%dma_wait3A_98, %dma_wait3A_99, %dma_wait3A_100] : memref<4x128x64xf32, #tpu.memory_space<vmem>> -> memref<1x128x64xf32, #tpu.memory_space<vmem>>
    %dma_wait3A_102 = tpu.memref_squeeze %dma_wait3A_101 : memref<1x128x64xf32, #tpu.memory_space<vmem>> -> memref<128x64xf32, #tpu.memory_space<vmem>>
    %dma_wait3A_103 = arith.constant 0 : i32
    %dma_wait3A_104 = tpu.memref_slice %arg9[%dma_wait3A, %dma_wait3A_103] : memref<4x128xi32, #tpu.memory_space<vmem>> -> memref<1x128xi32, #tpu.memory_space<vmem>>
    %dma_wait3A_105 = tpu.memref_squeeze %dma_wait3A_104 : memref<1x128xi32, #tpu.memory_space<vmem>> -> memref<128xi32, #tpu.memory_space<vmem>>
    %dma_wait3A_106 = arith.constant 0 : i32
    %dma_wait3A_107 = arith.constant 0 : i32
    %dma_wait3A_108 = tpu.memref_slice %arg4[%dma_wait3A_106, %dma_wait3A_107] : memref<1000x64xf32, #tpu.memory_space<hbm>> -> memref<1000x64xf32, #tpu.memory_space<hbm>>
    tpu.wait_indirect_dma semaphore(%arg16 : memref<!tpu.dma_semaphore, #tpu.memory_space<semaphore_mem>>) src(%dma_wait3A_108 : memref<1000x64xf32, #tpu.memory_space<hbm>>) dst(%dma_wait3A_102 : memref<128x64xf32, #tpu.memory_space<vmem>>)
    %dma_wait3A_109 = arith.constant 0 : i32
    %dma_wait3A_110 = arith.constant 0 : i32
    %dma_wait3A_111 = arith.constant 0 : i32
    %dma_wait3A_112 = arith.constant 0 : i32
    %dma_wait3A_113 = tpu.memref_slice %arg12[%dma_wait3A_110, %dma_wait3A_111, %dma_wait3A_112] : memref<4x128x64xf32, #tpu.memory_space<vmem>> -> memref<1x128x64xf32, #tpu.memory_space<vmem>>
    %dma_wait3A_114 = tpu.memref_squeeze %dma_wait3A_113 : memref<1x128x64xf32, #tpu.memory_space<vmem>> -> memref<128x64xf32, #tpu.memory_space<vmem>>
    %dma_wait3A_115 = arith.constant 0 : i32
    %dma_wait3A_116 = tpu.memref_slice %arg10[%dma_wait3A_109, %dma_wait3A_115] : memref<4x128xi32, #tpu.memory_space<vmem>> -> memref<1x128xi32, #tpu.memory_space<vmem>>
    %dma_wait3A_117 = tpu.memref_squeeze %dma_wait3A_116 : memref<1x128xi32, #tpu.memory_space<vmem>> -> memref<128xi32, #tpu.memory_space<vmem>>
    %dma_wait3A_118 = arith.constant 0 : i32
    %dma_wait3A_119 = arith.constant 0 : i32
    %dma_wait3A_120 = tpu.memref_slice %arg5[%dma_wait3A_118, %dma_wait3A_119] : memref<1000x64xf32, #tpu.memory_space<hbm>> -> memref<1000x64xf32, #tpu.memory_space<hbm>>
    tpu.wait_indirect_dma semaphore(%arg16 : memref<!tpu.dma_semaphore, #tpu.memory_space<semaphore_mem>>) src(%dma_wait3A_120 : memref<1000x64xf32, #tpu.memory_space<hbm>>) dst(%dma_wait3A_114 : memref<128x64xf32, #tpu.memory_space<vmem>>)
    %dma_wait3A_121 = arith.constant 1 : i32
    %dma_wait3A_122 = arith.constant 1 : i32
    %dma_wait3A_123 = arith.constant 0 : i32
    %dma_wait3A_124 = arith.constant 0 : i32
    %dma_wait3A_125 = tpu.memref_slice %arg11[%dma_wait3A_122, %dma_wait3A_123, %dma_wait3A_124] : memref<4x128x64xf32, #tpu.memory_space<vmem>> -> memref<1x128x64xf32, #tpu.memory_space<vmem>>
    %dma_wait3A_126 = tpu.memref_squeeze %dma_wait3A_125 : memref<1x128x64xf32, #tpu.memory_space<vmem>> -> memref<128x64xf32, #tpu.memory_space<vmem>>
    %dma_wait3A_127 = arith.constant 0 : i32
    %dma_wait3A_128 = tpu.memref_slice %arg9[%dma_wait3A_121, %dma_wait3A_127] : memref<4x128xi32, #tpu.memory_space<vmem>> -> memref<1x128xi32, #tpu.memory_space<vmem>>
    %dma_wait3A_129 = tpu.memref_squeeze %dma_wait3A_128 : memref<1x128xi32, #tpu.memory_space<vmem>> -> memref<128xi32, #tpu.memory_space<vmem>>
    %dma_wait3A_130 = arith.constant 0 : i32
    %dma_wait3A_131 = arith.constant 0 : i32
    %dma_wait3A_132 = tpu.memref_slice %arg4[%dma_wait3A_130, %dma_wait3A_131] : memref<1000x64xf32, #tpu.memory_space<hbm>> -> memref<1000x64xf32, #tpu.memory_space<hbm>>
    tpu.wait_indirect_dma semaphore(%arg16 : memref<!tpu.dma_semaphore, #tpu.memory_space<semaphore_mem>>) src(%dma_wait3A_132 : memref<1000x64xf32, #tpu.memory_space<hbm>>) dst(%dma_wait3A_126 : memref<128x64xf32, #tpu.memory_space<vmem>>)
    %dma_wait3A_133 = arith.constant 1 : i32
    %dma_wait3A_134 = arith.constant 1 : i32
    %dma_wait3A_135 = arith.constant 0 : i32
    %dma_wait3A_136 = arith.constant 0 : i32
    %dma_wait3A_137 = tpu.memref_slice %arg12[%dma_wait3A_134, %dma_wait3A_135, %dma_wait3A_136] : memref<4x128x64xf32, #tpu.memory_space<vmem>> -> memref<1x128x64xf32, #tpu.memory_space<vmem>>
    %dma_wait3A_138 = tpu.memref_squeeze %dma_wait3A_137 : memref<1x128x64xf32, #tpu.memory_space<vmem>> -> memref<128x64xf32, #tpu.memory_space<vmem>>
    %dma_wait3A_139 = arith.constant 0 : i32
    %dma_wait3A_140 = tpu.memref_slice %arg10[%dma_wait3A_133, %dma_wait3A_139] : memref<4x128xi32, #tpu.memory_space<vmem>> -> memref<1x128xi32, #tpu.memory_space<vmem>>
    %dma_wait3A_141 = tpu.memref_squeeze %dma_wait3A_140 : memref<1x128xi32, #tpu.memory_space<vmem>> -> memref<128xi32, #tpu.memory_space<vmem>>
    %dma_wait3A_142 = arith.constant 0 : i32
    %dma_wait3A_143 = arith.constant 0 : i32
    %dma_wait3A_144 = tpu.memref_slice %arg5[%dma_wait3A_142, %dma_wait3A_143] : memref<1000x64xf32, #tpu.memory_space<hbm>> -> memref<1000x64xf32, #tpu.memory_space<hbm>>
    tpu.wait_indirect_dma semaphore(%arg16 : memref<!tpu.dma_semaphore, #tpu.memory_space<semaphore_mem>>) src(%dma_wait3A_144 : memref<1000x64xf32, #tpu.memory_space<hbm>>) dst(%dma_wait3A_138 : memref<128x64xf32, #tpu.memory_space<vmem>>)
    %dma_wait3A_145 = arith.constant 2 : i32
    %dma_wait3A_146 = arith.constant 2 : i32
    %dma_wait3A_147 = arith.constant 0 : i32
    %dma_wait3A_148 = arith.constant 0 : i32
    %dma_wait3A_149 = tpu.memref_slice %arg11[%dma_wait3A_146, %dma_wait3A_147, %dma_wait3A_148] : memref<4x128x64xf32, #tpu.memory_space<vmem>> -> memref<1x128x64xf32, #tpu.memory_space<vmem>>
    %dma_wait3A_150 = tpu.memref_squeeze %dma_wait3A_149 : memref<1x128x64xf32, #tpu.memory_space<vmem>> -> memref<128x64xf32, #tpu.memory_space<vmem>>
    %dma_wait3A_151 = arith.constant 0 : i32
    %dma_wait3A_152 = tpu.memref_slice %arg9[%dma_wait3A_145, %dma_wait3A_151] : memref<4x128xi32, #tpu.memory_space<vmem>> -> memref<1x128xi32, #tpu.memory_space<vmem>>
    %dma_wait3A_153 = tpu.memref_squeeze %dma_wait3A_152 : memref<1x128xi32, #tpu.memory_space<vmem>> -> memref<128xi32, #tpu.memory_space<vmem>>
    %dma_wait3A_154 = arith.constant 0 : i32
    %dma_wait3A_155 = arith.constant 0 : i32
    %dma_wait3A_156 = tpu.memref_slice %arg4[%dma_wait3A_154, %dma_wait3A_155] : memref<1000x64xf32, #tpu.memory_space<hbm>> -> memref<1000x64xf32, #tpu.memory_space<hbm>>
    tpu.wait_indirect_dma semaphore(%arg16 : memref<!tpu.dma_semaphore, #tpu.memory_space<semaphore_mem>>) src(%dma_wait3A_156 : memref<1000x64xf32, #tpu.memory_space<hbm>>) dst(%dma_wait3A_150 : memref<128x64xf32, #tpu.memory_space<vmem>>)
    %dma_wait3A_157 = arith.constant 2 : i32
    %dma_wait3A_158 = arith.constant 2 : i32
    %dma_wait3A_159 = arith.constant 0 : i32
    %dma_wait3A_160 = arith.constant 0 : i32
    %dma_wait3A_161 = tpu.memref_slice %arg12[%dma_wait3A_158, %dma_wait3A_159, %dma_wait3A_160] : memref<4x128x64xf32, #tpu.memory_space<vmem>> -> memref<1x128x64xf32, #tpu.memory_space<vmem>>
    %dma_wait3A_162 = tpu.memref_squeeze %dma_wait3A_161 : memref<1x128x64xf32, #tpu.memory_space<vmem>> -> memref<128x64xf32, #tpu.memory_space<vmem>>
    %dma_wait3A_163 = arith.constant 0 : i32
    %dma_wait3A_164 = tpu.memref_slice %arg10[%dma_wait3A_157, %dma_wait3A_163] : memref<4x128xi32, #tpu.memory_space<vmem>> -> memref<1x128xi32, #tpu.memory_space<vmem>>
    %dma_wait3A_165 = tpu.memref_squeeze %dma_wait3A_164 : memref<1x128xi32, #tpu.memory_space<vmem>> -> memref<128xi32, #tpu.memory_space<vmem>>
    %dma_wait3A_166 = arith.constant 0 : i32
    %dma_wait3A_167 = arith.constant 0 : i32
    %dma_wait3A_168 = tpu.memref_slice %arg5[%dma_wait3A_166, %dma_wait3A_167] : memref<1000x64xf32, #tpu.memory_space<hbm>> -> memref<1000x64xf32, #tpu.memory_space<hbm>>
    tpu.wait_indirect_dma semaphore(%arg16 : memref<!tpu.dma_semaphore, #tpu.memory_space<semaphore_mem>>) src(%dma_wait3A_168 : memref<1000x64xf32, #tpu.memory_space<hbm>>) dst(%dma_wait3A_162 : memref<128x64xf32, #tpu.memory_space<vmem>>)
    %dma_wait3A_169 = arith.constant 3 : i32
    %dma_wait3A_170 = arith.constant 3 : i32
    %dma_wait3A_171 = arith.constant 0 : i32
    %dma_wait3A_172 = arith.constant 0 : i32
    %dma_wait3A_173 = tpu.memref_slice %arg11[%dma_wait3A_170, %dma_wait3A_171, %dma_wait3A_172] : memref<4x128x64xf32, #tpu.memory_space<vmem>> -> memref<1x128x64xf32, #tpu.memory_space<vmem>>
    %dma_wait3A_174 = tpu.memref_squeeze %dma_wait3A_173 : memref<1x128x64xf32, #tpu.memory_space<vmem>> -> memref<128x64xf32, #tpu.memory_space<vmem>>
    %dma_wait3A_175 = arith.constant 0 : i32
    %dma_wait3A_176 = tpu.memref_slice %arg9[%dma_wait3A_169, %dma_wait3A_175] : memref<4x128xi32, #tpu.memory_space<vmem>> -> memref<1x128xi32, #tpu.memory_space<vmem>>
    %dma_wait3A_177 = tpu.memref_squeeze %dma_wait3A_176 : memref<1x128xi32, #tpu.memory_space<vmem>> -> memref<128xi32, #tpu.memory_space<vmem>>
    %dma_wait3A_178 = arith.constant 0 : i32
    %dma_wait3A_179 = arith.constant 0 : i32
    %dma_wait3A_180 = tpu.memref_slice %arg4[%dma_wait3A_178, %dma_wait3A_179] : memref<1000x64xf32, #tpu.memory_space<hbm>> -> memref<1000x64xf32, #tpu.memory_space<hbm>>
    tpu.wait_indirect_dma semaphore(%arg16 : memref<!tpu.dma_semaphore, #tpu.memory_space<semaphore_mem>>) src(%dma_wait3A_180 : memref<1000x64xf32, #tpu.memory_space<hbm>>) dst(%dma_wait3A_174 : memref<128x64xf32, #tpu.memory_space<vmem>>)
    %dma_wait3A_181 = arith.constant 3 : i32
    %dma_wait3A_182 = arith.constant 3 : i32
    %dma_wait3A_183 = arith.constant 0 : i32
    %dma_wait3A_184 = arith.constant 0 : i32
    %dma_wait3A_185 = tpu.memref_slice %arg12[%dma_wait3A_182, %dma_wait3A_183, %dma_wait3A_184] : memref<4x128x64xf32, #tpu.memory_space<vmem>> -> memref<1x128x64xf32, #tpu.memory_space<vmem>>
    %dma_wait3A_186 = tpu.memref_squeeze %dma_wait3A_185 : memref<1x128x64xf32, #tpu.memory_space<vmem>> -> memref<128x64xf32, #tpu.memory_space<vmem>>
    %dma_wait3A_187 = arith.constant 0 : i32
    %dma_wait3A_188 = tpu.memref_slice %arg10[%dma_wait3A_181, %dma_wait3A_187] : memref<4x128xi32, #tpu.memory_space<vmem>> -> memref<1x128xi32, #tpu.memory_space<vmem>>
    %dma_wait3A_189 = tpu.memref_squeeze %dma_wait3A_188 : memref<1x128xi32, #tpu.memory_space<vmem>> -> memref<128xi32, #tpu.memory_space<vmem>>
    %dma_wait3A_190 = arith.constant 0 : i32
    %dma_wait3A_191 = arith.constant 0 : i32
    %dma_wait3A_192 = tpu.memref_slice %arg5[%dma_wait3A_190, %dma_wait3A_191] : memref<1000x64xf32, #tpu.memory_space<hbm>> -> memref<1000x64xf32, #tpu.memory_space<hbm>>
    tpu.wait_indirect_dma semaphore(%arg16 : memref<!tpu.dma_semaphore, #tpu.memory_space<semaphore_mem>>) src(%dma_wait3A_192 : memref<1000x64xf32, #tpu.memory_space<hbm>>) dst(%dma_wait3A_186 : memref<128x64xf32, #tpu.memory_space<vmem>>)
    %iota3A = tpu.iota {dimensions = array<i32: 0>} : vector<16xi32>
    %scan3A = arith.constant 0 : i32
    %scan3A_193 = arith.constant 0 : i32
    %scan3A_194 = arith.constant 32 : i32
    %scan3A_195 = arith.addi %scan3A_193, %scan3A_194 : i32
    %scan3A_196 = arith.constant 1 : i32
    scf.for %scan3A_198 = %scan3A_193 to %scan3A_195 step %scan3A_196  : i32 {
      %jit3A = arith.constant 8 : i32
      %div3A = arith.divsi %scan3A_198, %jit3A : i32
      %sign3A = arith.constant 0 : i32
      %sign3A_199 = arith.cmpi sgt, %scan3A_198, %sign3A : i32
      %sign3A_200 = arith.extui %sign3A_199 : i1 to i32
      %sign3A_201 = arith.constant 0 : i32
      %sign3A_202 = arith.cmpi slt, %scan3A_198, %sign3A_201 : i32
      %sign3A_203 = arith.extui %sign3A_202 : i1 to i32
      %sign3A_204 = arith.subi %sign3A_200, %sign3A_203 : i32
      %sign3A_205 = arith.constant 0 : i32
      %sign3A_206 = arith.cmpi sgt, %jit3A, %sign3A_205 : i32
      %sign3A_207 = arith.extui %sign3A_206 : i1 to i32
      %sign3A_208 = arith.constant 0 : i32
      %sign3A_209 = arith.cmpi slt, %jit3A, %sign3A_208 : i32
      %sign3A_210 = arith.extui %sign3A_209 : i1 to i32
      %sign3A_211 = arith.subi %sign3A_207, %sign3A_210 : i32
      %ne3A = arith.cmpi ne, %sign3A_204, %sign3A_211 : i32
      %rem3A = arith.remsi %scan3A_198, %jit3A : i32
      %ne3A_212 = arith.constant 0 : i32
      %ne3A_213 = arith.cmpi ne, %rem3A, %ne3A_212 : i32
      %and3A = arith.andi %ne3A, %ne3A_213 : i1
      %sub3A = arith.constant 1 : i32
      %sub3A_214 = arith.subi %div3A, %sub3A : i32
      %select_n3A = arith.select %and3A, %sub3A_214, %div3A : i32
      %jit3A_215 = arith.constant 8 : i32
      %eq3A = arith.constant 0 : i32
      %eq3A_216 = arith.cmpi eq, %jit3A_215, %eq3A : i32
      %jit3A_217 = arith.constant 1 : i32
      %select_n3A_218 = arith.select %eq3A_216, %jit3A_217, %jit3A_215 : i32
      %rem3A_219 = arith.remsi %scan3A_198, %select_n3A_218 : i32
      %ne3A_220 = arith.constant 0 : i32
      %ne3A_221 = arith.cmpi ne, %rem3A_219, %ne3A_220 : i32
      %lt3A = arith.constant 0 : i32
      %lt3A_222 = arith.cmpi slt, %rem3A_219, %lt3A : i32
      %lt3A_223 = arith.constant 0 : i32
      %lt3A_224 = arith.cmpi slt, %select_n3A_218, %lt3A_223 : i32
      %ne3A_225 = arith.xori %lt3A_222, %lt3A_224 : i1
      %and3A_226 = arith.andi %ne3A_225, %ne3A_221 : i1
      %add3A_227 = arith.addi %rem3A_219, %select_n3A_218 : i32
      %select_n3A_228 = arith.select %and3A_226, %add3A_227, %rem3A_219 : i32
      %mul3A_229 = arith.constant 16 : i32
      %mul3A_230 = arith.muli %select_n3A_228, %mul3A_229 : i32
      %get3A = arith.index_cast %select_n3A : i32 to index
      %get3A_231 = arith.index_cast %mul3A_230 : i32 to index
      %get3A_232 = tpu.vector_load %arg9[%get3A, %get3A_231] {strides = array<i32>} : memref<4x128xi32, #tpu.memory_space<vmem>>, vector<16xi32>,
      %get3A_233 = arith.index_cast %select_n3A : i32 to index
      %get3A_234 = arith.index_cast %mul3A_230 : i32 to index
      %get3A_235 = tpu.vector_load %arg10[%get3A_233, %get3A_234] {strides = array<i32>} : memref<4x128xi32, #tpu.memory_space<vmem>>, vector<16xi32>,
      %gather3A = tpu.vector_load_idx %arg13[%get3A_232] : memref<1000xf32, #tpu.memory_space<vmem>>[vector<16xi32>], vector<16xf32>,
      %gather3A_236 = tpu.vector_load_idx %arg14[%get3A_235] : memref<1000xf32, #tpu.memory_space<vmem>>[vector<16xi32>], vector<16xf32>,
      %add3A_237 = arith.addf %gather3A, %gather3A_236 : vector<16xf32>
      %add3A_238 = arith.constant 0 : i32
      %add3A_239 = arith.addi %mul3A_230, %add3A_238 : i32
      %get3A_240 = arith.index_cast %select_n3A : i32 to index
      %get3A_241 = arith.index_cast %add3A_239 : i32 to index
      %get3A_242 = arith.constant 0 : index
      %get3A_243 = tpu.vector_load %arg11[%get3A_240, %get3A_241, %get3A_242] {strides = array<i32>} : memref<4x128x64xf32, #tpu.memory_space<vmem>>, vector<16xf32>,
      %get3A_244 = arith.index_cast %select_n3A : i32 to index
      %get3A_245 = arith.index_cast %add3A_239 : i32 to index
      %get3A_246 = arith.constant 0 : index
      %get3A_247 = tpu.vector_load %arg12[%get3A_244, %get3A_245, %get3A_246] {strides = array<i32>} : memref<4x128x64xf32, #tpu.memory_space<vmem>>, vector<16xf32>,
      %mul3A_248 = arith.mulf %get3A_243, %get3A_247 : vector<16xf32>
      %get3A_249 = arith.index_cast %select_n3A : i32 to index
      %get3A_250 = arith.index_cast %add3A_239 : i32 to index
      %get3A_251 = arith.constant 16 : index
      %get3A_252 = tpu.vector_load %arg11[%get3A_249, %get3A_250, %get3A_251] {strides = array<i32>} : memref<4x128x64xf32, #tpu.memory_space<vmem>>, vector<16xf32>,
      %get3A_253 = arith.index_cast %select_n3A : i32 to index
      %get3A_254 = arith.index_cast %add3A_239 : i32 to index
      %get3A_255 = arith.constant 16 : index
      %get3A_256 = tpu.vector_load %arg12[%get3A_253, %get3A_254, %get3A_255] {strides = array<i32>} : memref<4x128x64xf32, #tpu.memory_space<vmem>>, vector<16xf32>,
      %mul3A_257 = arith.mulf %get3A_252, %get3A_256 : vector<16xf32>
      %add3A_258 = arith.addf %mul3A_248, %mul3A_257 : vector<16xf32>
      %get3A_259 = arith.index_cast %select_n3A : i32 to index
      %get3A_260 = arith.index_cast %add3A_239 : i32 to index
      %get3A_261 = arith.constant 32 : index
      %get3A_262 = tpu.vector_load %arg11[%get3A_259, %get3A_260, %get3A_261] {strides = array<i32>} : memref<4x128x64xf32, #tpu.memory_space<vmem>>, vector<16xf32>,
      %get3A_263 = arith.index_cast %select_n3A : i32 to index
      %get3A_264 = arith.index_cast %add3A_239 : i32 to index
      %get3A_265 = arith.constant 32 : index
      %get3A_266 = tpu.vector_load %arg12[%get3A_263, %get3A_264, %get3A_265] {strides = array<i32>} : memref<4x128x64xf32, #tpu.memory_space<vmem>>, vector<16xf32>,
      %mul3A_267 = arith.mulf %get3A_262, %get3A_266 : vector<16xf32>
      %add3A_268 = arith.addf %add3A_258, %mul3A_267 : vector<16xf32>
      %get3A_269 = arith.index_cast %select_n3A : i32 to index
      %get3A_270 = arith.index_cast %add3A_239 : i32 to index
      %get3A_271 = arith.constant 48 : index
      %get3A_272 = tpu.vector_load %arg11[%get3A_269, %get3A_270, %get3A_271] {strides = array<i32>} : memref<4x128x64xf32, #tpu.memory_space<vmem>>, vector<16xf32>,
      %get3A_273 = arith.index_cast %select_n3A : i32 to index
      %get3A_274 = arith.index_cast %add3A_239 : i32 to index
      %get3A_275 = arith.constant 48 : index
      %get3A_276 = tpu.vector_load %arg12[%get3A_273, %get3A_274, %get3A_275] {strides = array<i32>} : memref<4x128x64xf32, #tpu.memory_space<vmem>>, vector<16xf32>,
      %mul3A_277 = arith.mulf %get3A_272, %get3A_276 : vector<16xf32>
      %add3A_278 = arith.addf %add3A_268, %mul3A_277 : vector<16xf32>
      %reduce_sum3A = arith.constant true
      %reduce_sum3A_279 = vector.broadcast %reduce_sum3A : i1 to vector<16xi1>
      %reduce_sum3A_280 = tpu.scan <sum>, %add3A_278 masked %reduce_sum3A_279 : vector<16xf32>, vector<16xi1> -> vector<16xf32>
      %reduce_sum3A_281 = vector.extract %reduce_sum3A_280[15] : f32 from vector<16xf32>
      %eq3A_282 = arith.constant 0 : i32
      %eq3A_283 = vector.broadcast %eq3A_282 : i32 to vector<16xi32>
      %eq3A_284 = arith.cmpi eq, %iota3A, %eq3A_283 : vector<16xi32>
      %add3A_285 = vector.broadcast %reduce_sum3A_281 : f32 to vector<16xf32>
      %add3A_286 = arith.addf %add3A_237, %add3A_285 : vector<16xf32>
      %select_n3A_287 = arith.select %eq3A_284, %add3A_286, %add3A_237 : vector<16xi1>, vector<16xf32>
      %add3A_288 = arith.constant 1 : i32
      %add3A_289 = arith.addi %mul3A_230, %add3A_288 : i32
      %get3A_290 = arith.index_cast %select_n3A : i32 to index
      %get3A_291 = arith.index_cast %add3A_289 : i32 to index
      %get3A_292 = arith.constant 0 : index
      %get3A_293 = tpu.vector_load %arg11[%get3A_290, %get3A_291, %get3A_292] {strides = array<i32>} : memref<4x128x64xf32, #tpu.memory_space<vmem>>, vector<16xf32>,
      %get3A_294 = arith.index_cast %select_n3A : i32 to index
      %get3A_295 = arith.index_cast %add3A_289 : i32 to index
      %get3A_296 = arith.constant 0 : index
      %get3A_297 = tpu.vector_load %arg12[%get3A_294, %get3A_295, %get3A_296] {strides = array<i32>} : memref<4x128x64xf32, #tpu.memory_space<vmem>>, vector<16xf32>,
      %mul3A_298 = arith.mulf %get3A_293, %get3A_297 : vector<16xf32>
      %get3A_299 = arith.index_cast %select_n3A : i32 to index
      %get3A_300 = arith.index_cast %add3A_289 : i32 to index
      %get3A_301 = arith.constant 16 : index
      %get3A_302 = tpu.vector_load %arg11[%get3A_299, %get3A_300, %get3A_301] {strides = array<i32>} : memref<4x128x64xf32, #tpu.memory_space<vmem>>, vector<16xf32>,
      %get3A_303 = arith.index_cast %select_n3A : i32 to index
      %get3A_304 = arith.index_cast %add3A_289 : i32 to index
      %get3A_305 = arith.constant 16 : index
      %get3A_306 = tpu.vector_load %arg12[%get3A_303, %get3A_304, %get3A_305] {strides = array<i32>} : memref<4x128x64xf32, #tpu.memory_space<vmem>>, vector<16xf32>,
      %mul3A_307 = arith.mulf %get3A_302, %get3A_306 : vector<16xf32>
      %add3A_308 = arith.addf %mul3A_298, %mul3A_307 : vector<16xf32>
      %get3A_309 = arith.index_cast %select_n3A : i32 to index
      %get3A_310 = arith.index_cast %add3A_289 : i32 to index
      %get3A_311 = arith.constant 32 : index
      %get3A_312 = tpu.vector_load %arg11[%get3A_309, %get3A_310, %get3A_311] {strides = array<i32>} : memref<4x128x64xf32, #tpu.memory_space<vmem>>, vector<16xf32>,
      %get3A_313 = arith.index_cast %select_n3A : i32 to index
      %get3A_314 = arith.index_cast %add3A_289 : i32 to index
      %get3A_315 = arith.constant 32 : index
      %get3A_316 = tpu.vector_load %arg12[%get3A_313, %get3A_314, %get3A_315] {strides = array<i32>} : memref<4x128x64xf32, #tpu.memory_space<vmem>>, vector<16xf32>,
      %mul3A_317 = arith.mulf %get3A_312, %get3A_316 : vector<16xf32>
      %add3A_318 = arith.addf %add3A_308, %mul3A_317 : vector<16xf32>
      %get3A_319 = arith.index_cast %select_n3A : i32 to index
      %get3A_320 = arith.index_cast %add3A_289 : i32 to index
      %get3A_321 = arith.constant 48 : index
      %get3A_322 = tpu.vector_load %arg11[%get3A_319, %get3A_320, %get3A_321] {strides = array<i32>} : memref<4x128x64xf32, #tpu.memory_space<vmem>>, vector<16xf32>,
      %get3A_323 = arith.index_cast %select_n3A : i32 to index
      %get3A_324 = arith.index_cast %add3A_289 : i32 to index
      %get3A_325 = arith.constant 48 : index
      %get3A_326 = tpu.vector_load %arg12[%get3A_323, %get3A_324, %get3A_325] {strides = array<i32>} : memref<4x128x64xf32, #tpu.memory_space<vmem>>, vector<16xf32>,
      %mul3A_327 = arith.mulf %get3A_322, %get3A_326 : vector<16xf32>
      %add3A_328 = arith.addf %add3A_318, %mul3A_327 : vector<16xf32>
      %reduce_sum3A_329 = arith.constant true
      %reduce_sum3A_330 = vector.broadcast %reduce_sum3A_329 : i1 to vector<16xi1>
      %reduce_sum3A_331 = tpu.scan <sum>, %add3A_328 masked %reduce_sum3A_330 : vector<16xf32>, vector<16xi1> -> vector<16xf32>
      %reduce_sum3A_332 = vector.extract %reduce_sum3A_331[15] : f32 from vector<16xf32>
      %eq3A_333 = arith.constant 1 : i32
      %eq3A_334 = vector.broadcast %eq3A_333 : i32 to vector<16xi32>
      %eq3A_335 = arith.cmpi eq, %iota3A, %eq3A_334 : vector<16xi32>
      %add3A_336 = vector.broadcast %reduce_sum3A_332 : f32 to vector<16xf32>
      %add3A_337 = arith.addf %select_n3A_287, %add3A_336 : vector<16xf32>
      %select_n3A_338 = arith.select %eq3A_335, %add3A_337, %select_n3A_287 : vector<16xi1>, vector<16xf32>
      %add3A_339 = arith.constant 2 : i32
      %add3A_340 = arith.addi %mul3A_230, %add3A_339 : i32
      %get3A_341 = arith.index_cast %select_n3A : i32 to index
      %get3A_342 = arith.index_cast %add3A_340 : i32 to index
      %get3A_343 = arith.constant 0 : index
      %get3A_344 = tpu.vector_load %arg11[%get3A_341, %get3A_342, %get3A_343] {strides = array<i32>} : memref<4x128x64xf32, #tpu.memory_space<vmem>>, vector<16xf32>,
      %get3A_345 = arith.index_cast %select_n3A : i32 to index
      %get3A_346 = arith.index_cast %add3A_340 : i32 to index
      %get3A_347 = arith.constant 0 : index
      %get3A_348 = tpu.vector_load %arg12[%get3A_345, %get3A_346, %get3A_347] {strides = array<i32>} : memref<4x128x64xf32, #tpu.memory_space<vmem>>, vector<16xf32>,
      %mul3A_349 = arith.mulf %get3A_344, %get3A_348 : vector<16xf32>
      %get3A_350 = arith.index_cast %select_n3A : i32 to index
      %get3A_351 = arith.index_cast %add3A_340 : i32 to index
      %get3A_352 = arith.constant 16 : index
      %get3A_353 = tpu.vector_load %arg11[%get3A_350, %get3A_351, %get3A_352] {strides = array<i32>} : memref<4x128x64xf32, #tpu.memory_space<vmem>>, vector<16xf32>,
      %get3A_354 = arith.index_cast %select_n3A : i32 to index
      %get3A_355 = arith.index_cast %add3A_340 : i32 to index
      %get3A_356 = arith.constant 16 : index
      %get3A_357 = tpu.vector_load %arg12[%get3A_354, %get3A_355, %get3A_356] {strides = array<i32>} : memref<4x128x64xf32, #tpu.memory_space<vmem>>, vector<16xf32>,
      %mul3A_358 = arith.mulf %get3A_353, %get3A_357 : vector<16xf32>
      %add3A_359 = arith.addf %mul3A_349, %mul3A_358 : vector<16xf32>
      %get3A_360 = arith.index_cast %select_n3A : i32 to index
      %get3A_361 = arith.index_cast %add3A_340 : i32 to index
      %get3A_362 = arith.constant 32 : index
      %get3A_363 = tpu.vector_load %arg11[%get3A_360, %get3A_361, %get3A_362] {strides = array<i32>} : memref<4x128x64xf32, #tpu.memory_space<vmem>>, vector<16xf32>,
      %get3A_364 = arith.index_cast %select_n3A : i32 to index
      %get3A_365 = arith.index_cast %add3A_340 : i32 to index
      %get3A_366 = arith.constant 32 : index
      %get3A_367 = tpu.vector_load %arg12[%get3A_364, %get3A_365, %get3A_366] {strides = array<i32>} : memref<4x128x64xf32, #tpu.memory_space<vmem>>, vector<16xf32>,
      %mul3A_368 = arith.mulf %get3A_363, %get3A_367 : vector<16xf32>
      %add3A_369 = arith.addf %add3A_359, %mul3A_368 : vector<16xf32>
      %get3A_370 = arith.index_cast %select_n3A : i32 to index
      %get3A_371 = arith.index_cast %add3A_340 : i32 to index
      %get3A_372 = arith.constant 48 : index
      %get3A_373 = tpu.vector_load %arg11[%get3A_370, %get3A_371, %get3A_372] {strides = array<i32>} : memref<4x128x64xf32, #tpu.memory_space<vmem>>, vector<16xf32>,
      %get3A_374 = arith.index_cast %select_n3A : i32 to index
      %get3A_375 = arith.index_cast %add3A_340 : i32 to index
      %get3A_376 = arith.constant 48 : index
      %get3A_377 = tpu.vector_load %arg12[%get3A_374, %get3A_375, %get3A_376] {strides = array<i32>} : memref<4x128x64xf32, #tpu.memory_space<vmem>>, vector<16xf32>,
      %mul3A_378 = arith.mulf %get3A_373, %get3A_377 : vector<16xf32>
      %add3A_379 = arith.addf %add3A_369, %mul3A_378 : vector<16xf32>
      %reduce_sum3A_380 = arith.constant true
      %reduce_sum3A_381 = vector.broadcast %reduce_sum3A_380 : i1 to vector<16xi1>
      %reduce_sum3A_382 = tpu.scan <sum>, %add3A_379 masked %reduce_sum3A_381 : vector<16xf32>, vector<16xi1> -> vector<16xf32>
      %reduce_sum3A_383 = vector.extract %reduce_sum3A_382[15] : f32 from vector<16xf32>
      %eq3A_384 = arith.constant 2 : i32
      %eq3A_385 = vector.broadcast %eq3A_384 : i32 to vector<16xi32>
      %eq3A_386 = arith.cmpi eq, %iota3A, %eq3A_385 : vector<16xi32>
      %add3A_387 = vector.broadcast %reduce_sum3A_383 : f32 to vector<16xf32>
      %add3A_388 = arith.addf %select_n3A_338, %add3A_387 : vector<16xf32>
      %select_n3A_389 = arith.select %eq3A_386, %add3A_388, %select_n3A_338 : vector<16xi1>, vector<16xf32>
      %add3A_390 = arith.constant 3 : i32
      %add3A_391 = arith.addi %mul3A_230, %add3A_390 : i32
      %get3A_392 = arith.index_cast %select_n3A : i32 to index
      %get3A_393 = arith.index_cast %add3A_391 : i32 to index
      %get3A_394 = arith.constant 0 : index
      %get3A_395 = tpu.vector_load %arg11[%get3A_392, %get3A_393, %get3A_394] {strides = array<i32>} : memref<4x128x64xf32, #tpu.memory_space<vmem>>, vector<16xf32>,
      %get3A_396 = arith.index_cast %select_n3A : i32 to index
      %get3A_397 = arith.index_cast %add3A_391 : i32 to index
      %get3A_398 = arith.constant 0 : index
      %get3A_399 = tpu.vector_load %arg12[%get3A_396, %get3A_397, %get3A_398] {strides = array<i32>} : memref<4x128x64xf32, #tpu.memory_space<vmem>>, vector<16xf32>,
      %mul3A_400 = arith.mulf %get3A_395, %get3A_399 : vector<16xf32>
      %get3A_401 = arith.index_cast %select_n3A : i32 to index
      %get3A_402 = arith.index_cast %add3A_391 : i32 to index
      %get3A_403 = arith.constant 16 : index
      %get3A_404 = tpu.vector_load %arg11[%get3A_401, %get3A_402, %get3A_403] {strides = array<i32>} : memref<4x128x64xf32, #tpu.memory_space<vmem>>, vector<16xf32>,
      %get3A_405 = arith.index_cast %select_n3A : i32 to index
      %get3A_406 = arith.index_cast %add3A_391 : i32 to index
      %get3A_407 = arith.constant 16 : index
      %get3A_408 = tpu.vector_load %arg12[%get3A_405, %get3A_406, %get3A_407] {strides = array<i32>} : memref<4x128x64xf32, #tpu.memory_space<vmem>>, vector<16xf32>,
      %mul3A_409 = arith.mulf %get3A_404, %get3A_408 : vector<16xf32>
      %add3A_410 = arith.addf %mul3A_400, %mul3A_409 : vector<16xf32>
      %get3A_411 = arith.index_cast %select_n3A : i32 to index
      %get3A_412 = arith.index_cast %add3A_391 : i32 to index
      %get3A_413 = arith.constant 32 : index
      %get3A_414 = tpu.vector_load %arg11[%get3A_411, %get3A_412, %get3A_413] {strides = array<i32>} : memref<4x128x64xf32, #tpu.memory_space<vmem>>, vector<16xf32>,
      %get3A_415 = arith.index_cast %select_n3A : i32 to index
      %get3A_416 = arith.index_cast %add3A_391 : i32 to index
      %get3A_417 = arith.constant 32 : index
      %get3A_418 = tpu.vector_load %arg12[%get3A_415, %get3A_416, %get3A_417] {strides = array<i32>} : memref<4x128x64xf32, #tpu.memory_space<vmem>>, vector<16xf32>,
      %mul3A_419 = arith.mulf %get3A_414, %get3A_418 : vector<16xf32>
      %add3A_420 = arith.addf %add3A_410, %mul3A_419 : vector<16xf32>
      %get3A_421 = arith.index_cast %select_n3A : i32 to index
      %get3A_422 = arith.index_cast %add3A_391 : i32 to index
      %get3A_423 = arith.constant 48 : index
      %get3A_424 = tpu.vector_load %arg11[%get3A_421, %get3A_422, %get3A_423] {strides = array<i32>} : memref<4x128x64xf32, #tpu.memory_space<vmem>>, vector<16xf32>,
      %get3A_425 = arith.index_cast %select_n3A : i32 to index
      %get3A_426 = arith.index_cast %add3A_391 : i32 to index
      %get3A_427 = arith.constant 48 : index
      %get3A_428 = tpu.vector_load %arg12[%get3A_425, %get3A_426, %get3A_427] {strides = array<i32>} : memref<4x128x64xf32, #tpu.memory_space<vmem>>, vector<16xf32>,
      %mul3A_429 = arith.mulf %get3A_424, %get3A_428 : vector<16xf32>
      %add3A_430 = arith.addf %add3A_420, %mul3A_429 : vector<16xf32>
      %reduce_sum3A_431 = arith.constant true
      %reduce_sum3A_432 = vector.broadcast %reduce_sum3A_431 : i1 to vector<16xi1>
      %reduce_sum3A_433 = tpu.scan <sum>, %add3A_430 masked %reduce_sum3A_432 : vector<16xf32>, vector<16xi1> -> vector<16xf32>
      %reduce_sum3A_434 = vector.extract %reduce_sum3A_433[15] : f32 from vector<16xf32>
      %eq3A_435 = arith.constant 3 : i32
      %eq3A_436 = vector.broadcast %eq3A_435 : i32 to vector<16xi32>
      %eq3A_437 = arith.cmpi eq, %iota3A, %eq3A_436 : vector<16xi32>
      %add3A_438 = vector.broadcast %reduce_sum3A_434 : f32 to vector<16xf32>
      %add3A_439 = arith.addf %select_n3A_389, %add3A_438 : vector<16xf32>
      %select_n3A_440 = arith.select %eq3A_437, %add3A_439, %select_n3A_389 : vector<16xi1>, vector<16xf32>
      %add3A_441 = arith.constant 4 : i32
      %add3A_442 = arith.addi %mul3A_230, %add3A_441 : i32
      %get3A_443 = arith.index_cast %select_n3A : i32 to index
      %get3A_444 = arith.index_cast %add3A_442 : i32 to index
      %get3A_445 = arith.constant 0 : index
      %get3A_446 = tpu.vector_load %arg11[%get3A_443, %get3A_444, %get3A_445] {strides = array<i32>} : memref<4x128x64xf32, #tpu.memory_space<vmem>>, vector<16xf32>,
      %get3A_447 = arith.index_cast %select_n3A : i32 to index
      %get3A_448 = arith.index_cast %add3A_442 : i32 to index
      %get3A_449 = arith.constant 0 : index
      %get3A_450 = tpu.vector_load %arg12[%get3A_447, %get3A_448, %get3A_449] {strides = array<i32>} : memref<4x128x64xf32, #tpu.memory_space<vmem>>, vector<16xf32>,
      %mul3A_451 = arith.mulf %get3A_446, %get3A_450 : vector<16xf32>
      %get3A_452 = arith.index_cast %select_n3A : i32 to index
      %get3A_453 = arith.index_cast %add3A_442 : i32 to index
      %get3A_454 = arith.constant 16 : index
      %get3A_455 = tpu.vector_load %arg11[%get3A_452, %get3A_453, %get3A_454] {strides = array<i32>} : memref<4x128x64xf32, #tpu.memory_space<vmem>>, vector<16xf32>,
      %get3A_456 = arith.index_cast %select_n3A : i32 to index
      %get3A_457 = arith.index_cast %add3A_442 : i32 to index
      %get3A_458 = arith.constant 16 : index
      %get3A_459 = tpu.vector_load %arg12[%get3A_456, %get3A_457, %get3A_458] {strides = array<i32>} : memref<4x128x64xf32, #tpu.memory_space<vmem>>, vector<16xf32>,
      %mul3A_460 = arith.mulf %get3A_455, %get3A_459 : vector<16xf32>
      %add3A_461 = arith.addf %mul3A_451, %mul3A_460 : vector<16xf32>
      %get3A_462 = arith.index_cast %select_n3A : i32 to index
      %get3A_463 = arith.index_cast %add3A_442 : i32 to index
      %get3A_464 = arith.constant 32 : index
      %get3A_465 = tpu.vector_load %arg11[%get3A_462, %get3A_463, %get3A_464] {strides = array<i32>} : memref<4x128x64xf32, #tpu.memory_space<vmem>>, vector<16xf32>,
      %get3A_466 = arith.index_cast %select_n3A : i32 to index
      %get3A_467 = arith.index_cast %add3A_442 : i32 to index
      %get3A_468 = arith.constant 32 : index
      %get3A_469 = tpu.vector_load %arg12[%get3A_466, %get3A_467, %get3A_468] {strides = array<i32>} : memref<4x128x64xf32, #tpu.memory_space<vmem>>, vector<16xf32>,
      %mul3A_470 = arith.mulf %get3A_465, %get3A_469 : vector<16xf32>
      %add3A_471 = arith.addf %add3A_461, %mul3A_470 : vector<16xf32>
      %get3A_472 = arith.index_cast %select_n3A : i32 to index
      %get3A_473 = arith.index_cast %add3A_442 : i32 to index
      %get3A_474 = arith.constant 48 : index
      %get3A_475 = tpu.vector_load %arg11[%get3A_472, %get3A_473, %get3A_474] {strides = array<i32>} : memref<4x128x64xf32, #tpu.memory_space<vmem>>, vector<16xf32>,
      %get3A_476 = arith.index_cast %select_n3A : i32 to index
      %get3A_477 = arith.index_cast %add3A_442 : i32 to index
      %get3A_478 = arith.constant 48 : index
      %get3A_479 = tpu.vector_load %arg12[%get3A_476, %get3A_477, %get3A_478] {strides = array<i32>} : memref<4x128x64xf32, #tpu.memory_space<vmem>>, vector<16xf32>,
      %mul3A_480 = arith.mulf %get3A_475, %get3A_479 : vector<16xf32>
      %add3A_481 = arith.addf %add3A_471, %mul3A_480 : vector<16xf32>
      %reduce_sum3A_482 = arith.constant true
      %reduce_sum3A_483 = vector.broadcast %reduce_sum3A_482 : i1 to vector<16xi1>
      %reduce_sum3A_484 = tpu.scan <sum>, %add3A_481 masked %reduce_sum3A_483 : vector<16xf32>, vector<16xi1> -> vector<16xf32>
      %reduce_sum3A_485 = vector.extract %reduce_sum3A_484[15] : f32 from vector<16xf32>
      %eq3A_486 = arith.constant 4 : i32
      %eq3A_487 = vector.broadcast %eq3A_486 : i32 to vector<16xi32>
      %eq3A_488 = arith.cmpi eq, %iota3A, %eq3A_487 : vector<16xi32>
      %add3A_489 = vector.broadcast %reduce_sum3A_485 : f32 to vector<16xf32>
      %add3A_490 = arith.addf %select_n3A_440, %add3A_489 : vector<16xf32>
      %select_n3A_491 = arith.select %eq3A_488, %add3A_490, %select_n3A_440 : vector<16xi1>, vector<16xf32>
      %add3A_492 = arith.constant 5 : i32
      %add3A_493 = arith.addi %mul3A_230, %add3A_492 : i32
      %get3A_494 = arith.index_cast %select_n3A : i32 to index
      %get3A_495 = arith.index_cast %add3A_493 : i32 to index
      %get3A_496 = arith.constant 0 : index
      %get3A_497 = tpu.vector_load %arg11[%get3A_494, %get3A_495, %get3A_496] {strides = array<i32>} : memref<4x128x64xf32, #tpu.memory_space<vmem>>, vector<16xf32>,
      %get3A_498 = arith.index_cast %select_n3A : i32 to index
      %get3A_499 = arith.index_cast %add3A_493 : i32 to index
      %get3A_500 = arith.constant 0 : index
      %get3A_501 = tpu.vector_load %arg12[%get3A_498, %get3A_499, %get3A_500] {strides = array<i32>} : memref<4x128x64xf32, #tpu.memory_space<vmem>>, vector<16xf32>,
      %mul3A_502 = arith.mulf %get3A_497, %get3A_501 : vector<16xf32>
      %get3A_503 = arith.index_cast %select_n3A : i32 to index
      %get3A_504 = arith.index_cast %add3A_493 : i32 to index
      %get3A_505 = arith.constant 16 : index
      %get3A_506 = tpu.vector_load %arg11[%get3A_503, %get3A_504, %get3A_505] {strides = array<i32>} : memref<4x128x64xf32, #tpu.memory_space<vmem>>, vector<16xf32>,
      %get3A_507 = arith.index_cast %select_n3A : i32 to index
      %get3A_508 = arith.index_cast %add3A_493 : i32 to index
      %get3A_509 = arith.constant 16 : index
      %get3A_510 = tpu.vector_load %arg12[%get3A_507, %get3A_508, %get3A_509] {strides = array<i32>} : memref<4x128x64xf32, #tpu.memory_space<vmem>>, vector<16xf32>,
      %mul3A_511 = arith.mulf %get3A_506, %get3A_510 : vector<16xf32>
      %add3A_512 = arith.addf %mul3A_502, %mul3A_511 : vector<16xf32>
      %get3A_513 = arith.index_cast %select_n3A : i32 to index
      %get3A_514 = arith.index_cast %add3A_493 : i32 to index
      %get3A_515 = arith.constant 32 : index
      %get3A_516 = tpu.vector_load %arg11[%get3A_513, %get3A_514, %get3A_515] {strides = array<i32>} : memref<4x128x64xf32, #tpu.memory_space<vmem>>, vector<16xf32>,
      %get3A_517 = arith.index_cast %select_n3A : i32 to index
      %get3A_518 = arith.index_cast %add3A_493 : i32 to index
      %get3A_519 = arith.constant 32 : index
      %get3A_520 = tpu.vector_load %arg12[%get3A_517, %get3A_518, %get3A_519] {strides = array<i32>} : memref<4x128x64xf32, #tpu.memory_space<vmem>>, vector<16xf32>,
      %mul3A_521 = arith.mulf %get3A_516, %get3A_520 : vector<16xf32>
      %add3A_522 = arith.addf %add3A_512, %mul3A_521 : vector<16xf32>
      %get3A_523 = arith.index_cast %select_n3A : i32 to index
      %get3A_524 = arith.index_cast %add3A_493 : i32 to index
      %get3A_525 = arith.constant 48 : index
      %get3A_526 = tpu.vector_load %arg11[%get3A_523, %get3A_524, %get3A_525] {strides = array<i32>} : memref<4x128x64xf32, #tpu.memory_space<vmem>>, vector<16xf32>,
      %get3A_527 = arith.index_cast %select_n3A : i32 to index
      %get3A_528 = arith.index_cast %add3A_493 : i32 to index
      %get3A_529 = arith.constant 48 : index
      %get3A_530 = tpu.vector_load %arg12[%get3A_527, %get3A_528, %get3A_529] {strides = array<i32>} : memref<4x128x64xf32, #tpu.memory_space<vmem>>, vector<16xf32>,
      %mul3A_531 = arith.mulf %get3A_526, %get3A_530 : vector<16xf32>
      %add3A_532 = arith.addf %add3A_522, %mul3A_531 : vector<16xf32>
      %reduce_sum3A_533 = arith.constant true
      %reduce_sum3A_534 = vector.broadcast %reduce_sum3A_533 : i1 to vector<16xi1>
      %reduce_sum3A_535 = tpu.scan <sum>, %add3A_532 masked %reduce_sum3A_534 : vector<16xf32>, vector<16xi1> -> vector<16xf32>
      %reduce_sum3A_536 = vector.extract %reduce_sum3A_535[15] : f32 from vector<16xf32>
      %eq3A_537 = arith.constant 5 : i32
      %eq3A_538 = vector.broadcast %eq3A_537 : i32 to vector<16xi32>
      %eq3A_539 = arith.cmpi eq, %iota3A, %eq3A_538 : vector<16xi32>
      %add3A_540 = vector.broadcast %reduce_sum3A_536 : f32 to vector<16xf32>
      %add3A_541 = arith.addf %select_n3A_491, %add3A_540 : vector<16xf32>
      %select_n3A_542 = arith.select %eq3A_539, %add3A_541, %select_n3A_491 : vector<16xi1>, vector<16xf32>
      %add3A_543 = arith.constant 6 : i32
      %add3A_544 = arith.addi %mul3A_230, %add3A_543 : i32
      %get3A_545 = arith.index_cast %select_n3A : i32 to index
      %get3A_546 = arith.index_cast %add3A_544 : i32 to index
      %get3A_547 = arith.constant 0 : index
      %get3A_548 = tpu.vector_load %arg11[%get3A_545, %get3A_546, %get3A_547] {strides = array<i32>} : memref<4x128x64xf32, #tpu.memory_space<vmem>>, vector<16xf32>,
      %get3A_549 = arith.index_cast %select_n3A : i32 to index
      %get3A_550 = arith.index_cast %add3A_544 : i32 to index
      %get3A_551 = arith.constant 0 : index
      %get3A_552 = tpu.vector_load %arg12[%get3A_549, %get3A_550, %get3A_551] {strides = array<i32>} : memref<4x128x64xf32, #tpu.memory_space<vmem>>, vector<16xf32>,
      %mul3A_553 = arith.mulf %get3A_548, %get3A_552 : vector<16xf32>
      %get3A_554 = arith.index_cast %select_n3A : i32 to index
      %get3A_555 = arith.index_cast %add3A_544 : i32 to index
      %get3A_556 = arith.constant 16 : index
      %get3A_557 = tpu.vector_load %arg11[%get3A_554, %get3A_555, %get3A_556] {strides = array<i32>} : memref<4x128x64xf32, #tpu.memory_space<vmem>>, vector<16xf32>,
      %get3A_558 = arith.index_cast %select_n3A : i32 to index
      %get3A_559 = arith.index_cast %add3A_544 : i32 to index
      %get3A_560 = arith.constant 16 : index
      %get3A_561 = tpu.vector_load %arg12[%get3A_558, %get3A_559, %get3A_560] {strides = array<i32>} : memref<4x128x64xf32, #tpu.memory_space<vmem>>, vector<16xf32>,
      %mul3A_562 = arith.mulf %get3A_557, %get3A_561 : vector<16xf32>
      %add3A_563 = arith.addf %mul3A_553, %mul3A_562 : vector<16xf32>
      %get3A_564 = arith.index_cast %select_n3A : i32 to index
      %get3A_565 = arith.index_cast %add3A_544 : i32 to index
      %get3A_566 = arith.constant 32 : index
      %get3A_567 = tpu.vector_load %arg11[%get3A_564, %get3A_565, %get3A_566] {strides = array<i32>} : memref<4x128x64xf32, #tpu.memory_space<vmem>>, vector<16xf32>,
      %get3A_568 = arith.index_cast %select_n3A : i32 to index
      %get3A_569 = arith.index_cast %add3A_544 : i32 to index
      %get3A_570 = arith.constant 32 : index
      %get3A_571 = tpu.vector_load %arg12[%get3A_568, %get3A_569, %get3A_570] {strides = array<i32>} : memref<4x128x64xf32, #tpu.memory_space<vmem>>, vector<16xf32>,
      %mul3A_572 = arith.mulf %get3A_567, %get3A_571 : vector<16xf32>
      %add3A_573 = arith.addf %add3A_563, %mul3A_572 : vector<16xf32>
      %get3A_574 = arith.index_cast %select_n3A : i32 to index
      %get3A_575 = arith.index_cast %add3A_544 : i32 to index
      %get3A_576 = arith.constant 48 : index
      %get3A_577 = tpu.vector_load %arg11[%get3A_574, %get3A_575, %get3A_576] {strides = array<i32>} : memref<4x128x64xf32, #tpu.memory_space<vmem>>, vector<16xf32>,
      %get3A_578 = arith.index_cast %select_n3A : i32 to index
      %get3A_579 = arith.index_cast %add3A_544 : i32 to index
      %get3A_580 = arith.constant 48 : index
      %get3A_581 = tpu.vector_load %arg12[%get3A_578, %get3A_579, %get3A_580] {strides = array<i32>} : memref<4x128x64xf32, #tpu.memory_space<vmem>>, vector<16xf32>,
      %mul3A_582 = arith.mulf %get3A_577, %get3A_581 : vector<16xf32>
      %add3A_583 = arith.addf %add3A_573, %mul3A_582 : vector<16xf32>
      %reduce_sum3A_584 = arith.constant true
      %reduce_sum3A_585 = vector.broadcast %reduce_sum3A_584 : i1 to vector<16xi1>
      %reduce_sum3A_586 = tpu.scan <sum>, %add3A_583 masked %reduce_sum3A_585 : vector<16xf32>, vector<16xi1> -> vector<16xf32>
      %reduce_sum3A_587 = vector.extract %reduce_sum3A_586[15] : f32 from vector<16xf32>
      %eq3A_588 = arith.constant 6 : i32
      %eq3A_589 = vector.broadcast %eq3A_588 : i32 to vector<16xi32>
      %eq3A_590 = arith.cmpi eq, %iota3A, %eq3A_589 : vector<16xi32>
      %add3A_591 = vector.broadcast %reduce_sum3A_587 : f32 to vector<16xf32>
      %add3A_592 = arith.addf %select_n3A_542, %add3A_591 : vector<16xf32>
      %select_n3A_593 = arith.select %eq3A_590, %add3A_592, %select_n3A_542 : vector<16xi1>, vector<16xf32>
      %add3A_594 = arith.constant 7 : i32
      %add3A_595 = arith.addi %mul3A_230, %add3A_594 : i32
      %get3A_596 = arith.index_cast %select_n3A : i32 to index
      %get3A_597 = arith.index_cast %add3A_595 : i32 to index
      %get3A_598 = arith.constant 0 : index
      %get3A_599 = tpu.vector_load %arg11[%get3A_596, %get3A_597, %get3A_598] {strides = array<i32>} : memref<4x128x64xf32, #tpu.memory_space<vmem>>, vector<16xf32>,
      %get3A_600 = arith.index_cast %select_n3A : i32 to index
      %get3A_601 = arith.index_cast %add3A_595 : i32 to index
      %get3A_602 = arith.constant 0 : index
      %get3A_603 = tpu.vector_load %arg12[%get3A_600, %get3A_601, %get3A_602] {strides = array<i32>} : memref<4x128x64xf32, #tpu.memory_space<vmem>>, vector<16xf32>,
      %mul3A_604 = arith.mulf %get3A_599, %get3A_603 : vector<16xf32>
      %get3A_605 = arith.index_cast %select_n3A : i32 to index
      %get3A_606 = arith.index_cast %add3A_595 : i32 to index
      %get3A_607 = arith.constant 16 : index
      %get3A_608 = tpu.vector_load %arg11[%get3A_605, %get3A_606, %get3A_607] {strides = array<i32>} : memref<4x128x64xf32, #tpu.memory_space<vmem>>, vector<16xf32>,
      %get3A_609 = arith.index_cast %select_n3A : i32 to index
      %get3A_610 = arith.index_cast %add3A_595 : i32 to index
      %get3A_611 = arith.constant 16 : index
      %get3A_612 = tpu.vector_load %arg12[%get3A_609, %get3A_610, %get3A_611] {strides = array<i32>} : memref<4x128x64xf32, #tpu.memory_space<vmem>>, vector<16xf32>,
      %mul3A_613 = arith.mulf %get3A_608, %get3A_612 : vector<16xf32>
      %add3A_614 = arith.addf %mul3A_604, %mul3A_613 : vector<16xf32>
      %get3A_615 = arith.index_cast %select_n3A : i32 to index
      %get3A_616 = arith.index_cast %add3A_595 : i32 to index
      %get3A_617 = arith.constant 32 : index
      %get3A_618 = tpu.vector_load %arg11[%get3A_615, %get3A_616, %get3A_617] {strides = array<i32>} : memref<4x128x64xf32, #tpu.memory_space<vmem>>, vector<16xf32>,
      %get3A_619 = arith.index_cast %select_n3A : i32 to index
      %get3A_620 = arith.index_cast %add3A_595 : i32 to index
      %get3A_621 = arith.constant 32 : index
      %get3A_622 = tpu.vector_load %arg12[%get3A_619, %get3A_620, %get3A_621] {strides = array<i32>} : memref<4x128x64xf32, #tpu.memory_space<vmem>>, vector<16xf32>,
      %mul3A_623 = arith.mulf %get3A_618, %get3A_622 : vector<16xf32>
      %add3A_624 = arith.addf %add3A_614, %mul3A_623 : vector<16xf32>
      %get3A_625 = arith.index_cast %select_n3A : i32 to index
      %get3A_626 = arith.index_cast %add3A_595 : i32 to index
      %get3A_627 = arith.constant 48 : index
      %get3A_628 = tpu.vector_load %arg11[%get3A_625, %get3A_626, %get3A_627] {strides = array<i32>} : memref<4x128x64xf32, #tpu.memory_space<vmem>>, vector<16xf32>,
      %get3A_629 = arith.index_cast %select_n3A : i32 to index
      %get3A_630 = arith.index_cast %add3A_595 : i32 to index
      %get3A_631 = arith.constant 48 : index
      %get3A_632 = tpu.vector_load %arg12[%get3A_629, %get3A_630, %get3A_631] {strides = array<i32>} : memref<4x128x64xf32, #tpu.memory_space<vmem>>, vector<16xf32>,
      %mul3A_633 = arith.mulf %get3A_628, %get3A_632 : vector<16xf32>
      %add3A_634 = arith.addf %add3A_624, %mul3A_633 : vector<16xf32>
      %reduce_sum3A_635 = arith.constant true
      %reduce_sum3A_636 = vector.broadcast %reduce_sum3A_635 : i1 to vector<16xi1>
      %reduce_sum3A_637 = tpu.scan <sum>, %add3A_634 masked %reduce_sum3A_636 : vector<16xf32>, vector<16xi1> -> vector<16xf32>
      %reduce_sum3A_638 = vector.extract %reduce_sum3A_637[15] : f32 from vector<16xf32>
      %eq3A_639 = arith.constant 7 : i32
      %eq3A_640 = vector.broadcast %eq3A_639 : i32 to vector<16xi32>
      %eq3A_641 = arith.cmpi eq, %iota3A, %eq3A_640 : vector<16xi32>
      %add3A_642 = vector.broadcast %reduce_sum3A_638 : f32 to vector<16xf32>
      %add3A_643 = arith.addf %select_n3A_593, %add3A_642 : vector<16xf32>
      %select_n3A_644 = arith.select %eq3A_641, %add3A_643, %select_n3A_593 : vector<16xi1>, vector<16xf32>
      %add3A_645 = arith.constant 8 : i32
      %add3A_646 = arith.addi %mul3A_230, %add3A_645 : i32
      %get3A_647 = arith.index_cast %select_n3A : i32 to index
      %get3A_648 = arith.index_cast %add3A_646 : i32 to index
      %get3A_649 = arith.constant 0 : index
      %get3A_650 = tpu.vector_load %arg11[%get3A_647, %get3A_648, %get3A_649] {strides = array<i32>} : memref<4x128x64xf32, #tpu.memory_space<vmem>>, vector<16xf32>,
      %get3A_651 = arith.index_cast %select_n3A : i32 to index
      %get3A_652 = arith.index_cast %add3A_646 : i32 to index
      %get3A_653 = arith.constant 0 : index
      %get3A_654 = tpu.vector_load %arg12[%get3A_651, %get3A_652, %get3A_653] {strides = array<i32>} : memref<4x128x64xf32, #tpu.memory_space<vmem>>, vector<16xf32>,
      %mul3A_655 = arith.mulf %get3A_650, %get3A_654 : vector<16xf32>
      %get3A_656 = arith.index_cast %select_n3A : i32 to index
      %get3A_657 = arith.index_cast %add3A_646 : i32 to index
      %get3A_658 = arith.constant 16 : index
      %get3A_659 = tpu.vector_load %arg11[%get3A_656, %get3A_657, %get3A_658] {strides = array<i32>} : memref<4x128x64xf32, #tpu.memory_space<vmem>>, vector<16xf32>,
      %get3A_660 = arith.index_cast %select_n3A : i32 to index
      %get3A_661 = arith.index_cast %add3A_646 : i32 to index
      %get3A_662 = arith.constant 16 : index
      %get3A_663 = tpu.vector_load %arg12[%get3A_660, %get3A_661, %get3A_662] {strides = array<i32>} : memref<4x128x64xf32, #tpu.memory_space<vmem>>, vector<16xf32>,
      %mul3A_664 = arith.mulf %get3A_659, %get3A_663 : vector<16xf32>
      %add3A_665 = arith.addf %mul3A_655, %mul3A_664 : vector<16xf32>
      %get3A_666 = arith.index_cast %select_n3A : i32 to index
      %get3A_667 = arith.index_cast %add3A_646 : i32 to index
      %get3A_668 = arith.constant 32 : index
      %get3A_669 = tpu.vector_load %arg11[%get3A_666, %get3A_667, %get3A_668] {strides = array<i32>} : memref<4x128x64xf32, #tpu.memory_space<vmem>>, vector<16xf32>,
      %get3A_670 = arith.index_cast %select_n3A : i32 to index
      %get3A_671 = arith.index_cast %add3A_646 : i32 to index
      %get3A_672 = arith.constant 32 : index
      %get3A_673 = tpu.vector_load %arg12[%get3A_670, %get3A_671, %get3A_672] {strides = array<i32>} : memref<4x128x64xf32, #tpu.memory_space<vmem>>, vector<16xf32>,
      %mul3A_674 = arith.mulf %get3A_669, %get3A_673 : vector<16xf32>
      %add3A_675 = arith.addf %add3A_665, %mul3A_674 : vector<16xf32>
      %get3A_676 = arith.index_cast %select_n3A : i32 to index
      %get3A_677 = arith.index_cast %add3A_646 : i32 to index
      %get3A_678 = arith.constant 48 : index
      %get3A_679 = tpu.vector_load %arg11[%get3A_676, %get3A_677, %get3A_678] {strides = array<i32>} : memref<4x128x64xf32, #tpu.memory_space<vmem>>, vector<16xf32>,
      %get3A_680 = arith.index_cast %select_n3A : i32 to index
      %get3A_681 = arith.index_cast %add3A_646 : i32 to index
      %get3A_682 = arith.constant 48 : index
      %get3A_683 = tpu.vector_load %arg12[%get3A_680, %get3A_681, %get3A_682] {strides = array<i32>} : memref<4x128x64xf32, #tpu.memory_space<vmem>>, vector<16xf32>,
      %mul3A_684 = arith.mulf %get3A_679, %get3A_683 : vector<16xf32>
      %add3A_685 = arith.addf %add3A_675, %mul3A_684 : vector<16xf32>
      %reduce_sum3A_686 = arith.constant true
      %reduce_sum3A_687 = vector.broadcast %reduce_sum3A_686 : i1 to vector<16xi1>
      %reduce_sum3A_688 = tpu.scan <sum>, %add3A_685 masked %reduce_sum3A_687 : vector<16xf32>, vector<16xi1> -> vector<16xf32>
      %reduce_sum3A_689 = vector.extract %reduce_sum3A_688[15] : f32 from vector<16xf32>
      %eq3A_690 = arith.constant 8 : i32
      %eq3A_691 = vector.broadcast %eq3A_690 : i32 to vector<16xi32>
      %eq3A_692 = arith.cmpi eq, %iota3A, %eq3A_691 : vector<16xi32>
      %add3A_693 = vector.broadcast %reduce_sum3A_689 : f32 to vector<16xf32>
      %add3A_694 = arith.addf %select_n3A_644, %add3A_693 : vector<16xf32>
      %select_n3A_695 = arith.select %eq3A_692, %add3A_694, %select_n3A_644 : vector<16xi1>, vector<16xf32>
      %add3A_696 = arith.constant 9 : i32
      %add3A_697 = arith.addi %mul3A_230, %add3A_696 : i32
      %get3A_698 = arith.index_cast %select_n3A : i32 to index
      %get3A_699 = arith.index_cast %add3A_697 : i32 to index
      %get3A_700 = arith.constant 0 : index
      %get3A_701 = tpu.vector_load %arg11[%get3A_698, %get3A_699, %get3A_700] {strides = array<i32>} : memref<4x128x64xf32, #tpu.memory_space<vmem>>, vector<16xf32>,
      %get3A_702 = arith.index_cast %select_n3A : i32 to index
      %get3A_703 = arith.index_cast %add3A_697 : i32 to index
      %get3A_704 = arith.constant 0 : index
      %get3A_705 = tpu.vector_load %arg12[%get3A_702, %get3A_703, %get3A_704] {strides = array<i32>} : memref<4x128x64xf32, #tpu.memory_space<vmem>>, vector<16xf32>,
      %mul3A_706 = arith.mulf %get3A_701, %get3A_705 : vector<16xf32>
      %get3A_707 = arith.index_cast %select_n3A : i32 to index
      %get3A_708 = arith.index_cast %add3A_697 : i32 to index
      %get3A_709 = arith.constant 16 : index
      %get3A_710 = tpu.vector_load %arg11[%get3A_707, %get3A_708, %get3A_709] {strides = array<i32>} : memref<4x128x64xf32, #tpu.memory_space<vmem>>, vector<16xf32>,
      %get3A_711 = arith.index_cast %select_n3A : i32 to index
      %get3A_712 = arith.index_cast %add3A_697 : i32 to index
      %get3A_713 = arith.constant 16 : index
      %get3A_714 = tpu.vector_load %arg12[%get3A_711, %get3A_712, %get3A_713] {strides = array<i32>} : memref<4x128x64xf32, #tpu.memory_space<vmem>>, vector<16xf32>,
      %mul3A_715 = arith.mulf %get3A_710, %get3A_714 : vector<16xf32>
      %add3A_716 = arith.addf %mul3A_706, %mul3A_715 : vector<16xf32>
      %get3A_717 = arith.index_cast %select_n3A : i32 to index
      %get3A_718 = arith.index_cast %add3A_697 : i32 to index
      %get3A_719 = arith.constant 32 : index
      %get3A_720 = tpu.vector_load %arg11[%get3A_717, %get3A_718, %get3A_719] {strides = array<i32>} : memref<4x128x64xf32, #tpu.memory_space<vmem>>, vector<16xf32>,
      %get3A_721 = arith.index_cast %select_n3A : i32 to index
      %get3A_722 = arith.index_cast %add3A_697 : i32 to index
      %get3A_723 = arith.constant 32 : index
      %get3A_724 = tpu.vector_load %arg12[%get3A_721, %get3A_722, %get3A_723] {strides = array<i32>} : memref<4x128x64xf32, #tpu.memory_space<vmem>>, vector<16xf32>,
      %mul3A_725 = arith.mulf %get3A_720, %get3A_724 : vector<16xf32>
      %add3A_726 = arith.addf %add3A_716, %mul3A_725 : vector<16xf32>
      %get3A_727 = arith.index_cast %select_n3A : i32 to index
      %get3A_728 = arith.index_cast %add3A_697 : i32 to index
      %get3A_729 = arith.constant 48 : index
      %get3A_730 = tpu.vector_load %arg11[%get3A_727, %get3A_728, %get3A_729] {strides = array<i32>} : memref<4x128x64xf32, #tpu.memory_space<vmem>>, vector<16xf32>,
      %get3A_731 = arith.index_cast %select_n3A : i32 to index
      %get3A_732 = arith.index_cast %add3A_697 : i32 to index
      %get3A_733 = arith.constant 48 : index
      %get3A_734 = tpu.vector_load %arg12[%get3A_731, %get3A_732, %get3A_733] {strides = array<i32>} : memref<4x128x64xf32, #tpu.memory_space<vmem>>, vector<16xf32>,
      %mul3A_735 = arith.mulf %get3A_730, %get3A_734 : vector<16xf32>
      %add3A_736 = arith.addf %add3A_726, %mul3A_735 : vector<16xf32>
      %reduce_sum3A_737 = arith.constant true
      %reduce_sum3A_738 = vector.broadcast %reduce_sum3A_737 : i1 to vector<16xi1>
      %reduce_sum3A_739 = tpu.scan <sum>, %add3A_736 masked %reduce_sum3A_738 : vector<16xf32>, vector<16xi1> -> vector<16xf32>
      %reduce_sum3A_740 = vector.extract %reduce_sum3A_739[15] : f32 from vector<16xf32>
      %eq3A_741 = arith.constant 9 : i32
      %eq3A_742 = vector.broadcast %eq3A_741 : i32 to vector<16xi32>
      %eq3A_743 = arith.cmpi eq, %iota3A, %eq3A_742 : vector<16xi32>
      %add3A_744 = vector.broadcast %reduce_sum3A_740 : f32 to vector<16xf32>
      %add3A_745 = arith.addf %select_n3A_695, %add3A_744 : vector<16xf32>
      %select_n3A_746 = arith.select %eq3A_743, %add3A_745, %select_n3A_695 : vector<16xi1>, vector<16xf32>
      %add3A_747 = arith.constant 10 : i32
      %add3A_748 = arith.addi %mul3A_230, %add3A_747 : i32
      %get3A_749 = arith.index_cast %select_n3A : i32 to index
      %get3A_750 = arith.index_cast %add3A_748 : i32 to index
      %get3A_751 = arith.constant 0 : index
      %get3A_752 = tpu.vector_load %arg11[%get3A_749, %get3A_750, %get3A_751] {strides = array<i32>} : memref<4x128x64xf32, #tpu.memory_space<vmem>>, vector<16xf32>,
      %get3A_753 = arith.index_cast %select_n3A : i32 to index
      %get3A_754 = arith.index_cast %add3A_748 : i32 to index
      %get3A_755 = arith.constant 0 : index
      %get3A_756 = tpu.vector_load %arg12[%get3A_753, %get3A_754, %get3A_755] {strides = array<i32>} : memref<4x128x64xf32, #tpu.memory_space<vmem>>, vector<16xf32>,
      %mul3A_757 = arith.mulf %get3A_752, %get3A_756 : vector<16xf32>
      %get3A_758 = arith.index_cast %select_n3A : i32 to index
      %get3A_759 = arith.index_cast %add3A_748 : i32 to index
      %get3A_760 = arith.constant 16 : index
      %get3A_761 = tpu.vector_load %arg11[%get3A_758, %get3A_759, %get3A_760] {strides = array<i32>} : memref<4x128x64xf32, #tpu.memory_space<vmem>>, vector<16xf32>,
      %get3A_762 = arith.index_cast %select_n3A : i32 to index
      %get3A_763 = arith.index_cast %add3A_748 : i32 to index
      %get3A_764 = arith.constant 16 : index
      %get3A_765 = tpu.vector_load %arg12[%get3A_762, %get3A_763, %get3A_764] {strides = array<i32>} : memref<4x128x64xf32, #tpu.memory_space<vmem>>, vector<16xf32>,
      %mul3A_766 = arith.mulf %get3A_761, %get3A_765 : vector<16xf32>
      %add3A_767 = arith.addf %mul3A_757, %mul3A_766 : vector<16xf32>
      %get3A_768 = arith.index_cast %select_n3A : i32 to index
      %get3A_769 = arith.index_cast %add3A_748 : i32 to index
      %get3A_770 = arith.constant 32 : index
      %get3A_771 = tpu.vector_load %arg11[%get3A_768, %get3A_769, %get3A_770] {strides = array<i32>} : memref<4x128x64xf32, #tpu.memory_space<vmem>>, vector<16xf32>,
      %get3A_772 = arith.index_cast %select_n3A : i32 to index
      %get3A_773 = arith.index_cast %add3A_748 : i32 to index
      %get3A_774 = arith.constant 32 : index
      %get3A_775 = tpu.vector_load %arg12[%get3A_772, %get3A_773, %get3A_774] {strides = array<i32>} : memref<4x128x64xf32, #tpu.memory_space<vmem>>, vector<16xf32>,
      %mul3A_776 = arith.mulf %get3A_771, %get3A_775 : vector<16xf32>
      %add3A_777 = arith.addf %add3A_767, %mul3A_776 : vector<16xf32>
      %get3A_778 = arith.index_cast %select_n3A : i32 to index
      %get3A_779 = arith.index_cast %add3A_748 : i32 to index
      %get3A_780 = arith.constant 48 : index
      %get3A_781 = tpu.vector_load %arg11[%get3A_778, %get3A_779, %get3A_780] {strides = array<i32>} : memref<4x128x64xf32, #tpu.memory_space<vmem>>, vector<16xf32>,
      %get3A_782 = arith.index_cast %select_n3A : i32 to index
      %get3A_783 = arith.index_cast %add3A_748 : i32 to index
      %get3A_784 = arith.constant 48 : index
      %get3A_785 = tpu.vector_load %arg12[%get3A_782, %get3A_783, %get3A_784] {strides = array<i32>} : memref<4x128x64xf32, #tpu.memory_space<vmem>>, vector<16xf32>,
      %mul3A_786 = arith.mulf %get3A_781, %get3A_785 : vector<16xf32>
      %add3A_787 = arith.addf %add3A_777, %mul3A_786 : vector<16xf32>
      %reduce_sum3A_788 = arith.constant true
      %reduce_sum3A_789 = vector.broadcast %reduce_sum3A_788 : i1 to vector<16xi1>
      %reduce_sum3A_790 = tpu.scan <sum>, %add3A_787 masked %reduce_sum3A_789 : vector<16xf32>, vector<16xi1> -> vector<16xf32>
      %reduce_sum3A_791 = vector.extract %reduce_sum3A_790[15] : f32 from vector<16xf32>
      %eq3A_792 = arith.constant 10 : i32
      %eq3A_793 = vector.broadcast %eq3A_792 : i32 to vector<16xi32>
      %eq3A_794 = arith.cmpi eq, %iota3A, %eq3A_793 : vector<16xi32>
      %add3A_795 = vector.broadcast %reduce_sum3A_791 : f32 to vector<16xf32>
      %add3A_796 = arith.addf %select_n3A_746, %add3A_795 : vector<16xf32>
      %select_n3A_797 = arith.select %eq3A_794, %add3A_796, %select_n3A_746 : vector<16xi1>, vector<16xf32>
      %add3A_798 = arith.constant 11 : i32
      %add3A_799 = arith.addi %mul3A_230, %add3A_798 : i32
      %get3A_800 = arith.index_cast %select_n3A : i32 to index
      %get3A_801 = arith.index_cast %add3A_799 : i32 to index
      %get3A_802 = arith.constant 0 : index
      %get3A_803 = tpu.vector_load %arg11[%get3A_800, %get3A_801, %get3A_802] {strides = array<i32>} : memref<4x128x64xf32, #tpu.memory_space<vmem>>, vector<16xf32>,
      %get3A_804 = arith.index_cast %select_n3A : i32 to index
      %get3A_805 = arith.index_cast %add3A_799 : i32 to index
      %get3A_806 = arith.constant 0 : index
      %get3A_807 = tpu.vector_load %arg12[%get3A_804, %get3A_805, %get3A_806] {strides = array<i32>} : memref<4x128x64xf32, #tpu.memory_space<vmem>>, vector<16xf32>,
      %mul3A_808 = arith.mulf %get3A_803, %get3A_807 : vector<16xf32>
      %get3A_809 = arith.index_cast %select_n3A : i32 to index
      %get3A_810 = arith.index_cast %add3A_799 : i32 to index
      %get3A_811 = arith.constant 16 : index
      %get3A_812 = tpu.vector_load %arg11[%get3A_809, %get3A_810, %get3A_811] {strides = array<i32>} : memref<4x128x64xf32, #tpu.memory_space<vmem>>, vector<16xf32>,
      %get3A_813 = arith.index_cast %select_n3A : i32 to index
      %get3A_814 = arith.index_cast %add3A_799 : i32 to index
      %get3A_815 = arith.constant 16 : index
      %get3A_816 = tpu.vector_load %arg12[%get3A_813, %get3A_814, %get3A_815] {strides = array<i32>} : memref<4x128x64xf32, #tpu.memory_space<vmem>>, vector<16xf32>,
      %mul3A_817 = arith.mulf %get3A_812, %get3A_816 : vector<16xf32>
      %add3A_818 = arith.addf %mul3A_808, %mul3A_817 : vector<16xf32>
      %get3A_819 = arith.index_cast %select_n3A : i32 to index
      %get3A_820 = arith.index_cast %add3A_799 : i32 to index
      %get3A_821 = arith.constant 32 : index
      %get3A_822 = tpu.vector_load %arg11[%get3A_819, %get3A_820, %get3A_821] {strides = array<i32>} : memref<4x128x64xf32, #tpu.memory_space<vmem>>, vector<16xf32>,
      %get3A_823 = arith.index_cast %select_n3A : i32 to index
      %get3A_824 = arith.index_cast %add3A_799 : i32 to index
      %get3A_825 = arith.constant 32 : index
      %get3A_826 = tpu.vector_load %arg12[%get3A_823, %get3A_824, %get3A_825] {strides = array<i32>} : memref<4x128x64xf32, #tpu.memory_space<vmem>>, vector<16xf32>,
      %mul3A_827 = arith.mulf %get3A_822, %get3A_826 : vector<16xf32>
      %add3A_828 = arith.addf %add3A_818, %mul3A_827 : vector<16xf32>
      %get3A_829 = arith.index_cast %select_n3A : i32 to index
      %get3A_830 = arith.index_cast %add3A_799 : i32 to index
      %get3A_831 = arith.constant 48 : index
      %get3A_832 = tpu.vector_load %arg11[%get3A_829, %get3A_830, %get3A_831] {strides = array<i32>} : memref<4x128x64xf32, #tpu.memory_space<vmem>>, vector<16xf32>,
      %get3A_833 = arith.index_cast %select_n3A : i32 to index
      %get3A_834 = arith.index_cast %add3A_799 : i32 to index
      %get3A_835 = arith.constant 48 : index
      %get3A_836 = tpu.vector_load %arg12[%get3A_833, %get3A_834, %get3A_835] {strides = array<i32>} : memref<4x128x64xf32, #tpu.memory_space<vmem>>, vector<16xf32>,
      %mul3A_837 = arith.mulf %get3A_832, %get3A_836 : vector<16xf32>
      %add3A_838 = arith.addf %add3A_828, %mul3A_837 : vector<16xf32>
      %reduce_sum3A_839 = arith.constant true
      %reduce_sum3A_840 = vector.broadcast %reduce_sum3A_839 : i1 to vector<16xi1>
      %reduce_sum3A_841 = tpu.scan <sum>, %add3A_838 masked %reduce_sum3A_840 : vector<16xf32>, vector<16xi1> -> vector<16xf32>
      %reduce_sum3A_842 = vector.extract %reduce_sum3A_841[15] : f32 from vector<16xf32>
      %eq3A_843 = arith.constant 11 : i32
      %eq3A_844 = vector.broadcast %eq3A_843 : i32 to vector<16xi32>
      %eq3A_845 = arith.cmpi eq, %iota3A, %eq3A_844 : vector<16xi32>
      %add3A_846 = vector.broadcast %reduce_sum3A_842 : f32 to vector<16xf32>
      %add3A_847 = arith.addf %select_n3A_797, %add3A_846 : vector<16xf32>
      %select_n3A_848 = arith.select %eq3A_845, %add3A_847, %select_n3A_797 : vector<16xi1>, vector<16xf32>
      %add3A_849 = arith.constant 12 : i32
      %add3A_850 = arith.addi %mul3A_230, %add3A_849 : i32
      %get3A_851 = arith.index_cast %select_n3A : i32 to index
      %get3A_852 = arith.index_cast %add3A_850 : i32 to index
      %get3A_853 = arith.constant 0 : index
      %get3A_854 = tpu.vector_load %arg11[%get3A_851, %get3A_852, %get3A_853] {strides = array<i32>} : memref<4x128x64xf32, #tpu.memory_space<vmem>>, vector<16xf32>,
      %get3A_855 = arith.index_cast %select_n3A : i32 to index
      %get3A_856 = arith.index_cast %add3A_850 : i32 to index
      %get3A_857 = arith.constant 0 : index
      %get3A_858 = tpu.vector_load %arg12[%get3A_855, %get3A_856, %get3A_857] {strides = array<i32>} : memref<4x128x64xf32, #tpu.memory_space<vmem>>, vector<16xf32>,
      %mul3A_859 = arith.mulf %get3A_854, %get3A_858 : vector<16xf32>
      %get3A_860 = arith.index_cast %select_n3A : i32 to index
      %get3A_861 = arith.index_cast %add3A_850 : i32 to index
      %get3A_862 = arith.constant 16 : index
      %get3A_863 = tpu.vector_load %arg11[%get3A_860, %get3A_861, %get3A_862] {strides = array<i32>} : memref<4x128x64xf32, #tpu.memory_space<vmem>>, vector<16xf32>,
      %get3A_864 = arith.index_cast %select_n3A : i32 to index
      %get3A_865 = arith.index_cast %add3A_850 : i32 to index
      %get3A_866 = arith.constant 16 : index
      %get3A_867 = tpu.vector_load %arg12[%get3A_864, %get3A_865, %get3A_866] {strides = array<i32>} : memref<4x128x64xf32, #tpu.memory_space<vmem>>, vector<16xf32>,
      %mul3A_868 = arith.mulf %get3A_863, %get3A_867 : vector<16xf32>
      %add3A_869 = arith.addf %mul3A_859, %mul3A_868 : vector<16xf32>
      %get3A_870 = arith.index_cast %select_n3A : i32 to index
      %get3A_871 = arith.index_cast %add3A_850 : i32 to index
      %get3A_872 = arith.constant 32 : index
      %get3A_873 = tpu.vector_load %arg11[%get3A_870, %get3A_871, %get3A_872] {strides = array<i32>} : memref<4x128x64xf32, #tpu.memory_space<vmem>>, vector<16xf32>,
      %get3A_874 = arith.index_cast %select_n3A : i32 to index
      %get3A_875 = arith.index_cast %add3A_850 : i32 to index
      %get3A_876 = arith.constant 32 : index
      %get3A_877 = tpu.vector_load %arg12[%get3A_874, %get3A_875, %get3A_876] {strides = array<i32>} : memref<4x128x64xf32, #tpu.memory_space<vmem>>, vector<16xf32>,
      %mul3A_878 = arith.mulf %get3A_873, %get3A_877 : vector<16xf32>
      %add3A_879 = arith.addf %add3A_869, %mul3A_878 : vector<16xf32>
      %get3A_880 = arith.index_cast %select_n3A : i32 to index
      %get3A_881 = arith.index_cast %add3A_850 : i32 to index
      %get3A_882 = arith.constant 48 : index
      %get3A_883 = tpu.vector_load %arg11[%get3A_880, %get3A_881, %get3A_882] {strides = array<i32>} : memref<4x128x64xf32, #tpu.memory_space<vmem>>, vector<16xf32>,
      %get3A_884 = arith.index_cast %select_n3A : i32 to index
      %get3A_885 = arith.index_cast %add3A_850 : i32 to index
      %get3A_886 = arith.constant 48 : index
      %get3A_887 = tpu.vector_load %arg12[%get3A_884, %get3A_885, %get3A_886] {strides = array<i32>} : memref<4x128x64xf32, #tpu.memory_space<vmem>>, vector<16xf32>,
      %mul3A_888 = arith.mulf %get3A_883, %get3A_887 : vector<16xf32>
      %add3A_889 = arith.addf %add3A_879, %mul3A_888 : vector<16xf32>
      %reduce_sum3A_890 = arith.constant true
      %reduce_sum3A_891 = vector.broadcast %reduce_sum3A_890 : i1 to vector<16xi1>
      %reduce_sum3A_892 = tpu.scan <sum>, %add3A_889 masked %reduce_sum3A_891 : vector<16xf32>, vector<16xi1> -> vector<16xf32>
      %reduce_sum3A_893 = vector.extract %reduce_sum3A_892[15] : f32 from vector<16xf32>
      %eq3A_894 = arith.constant 12 : i32
      %eq3A_895 = vector.broadcast %eq3A_894 : i32 to vector<16xi32>
      %eq3A_896 = arith.cmpi eq, %iota3A, %eq3A_895 : vector<16xi32>
      %add3A_897 = vector.broadcast %reduce_sum3A_893 : f32 to vector<16xf32>
      %add3A_898 = arith.addf %select_n3A_848, %add3A_897 : vector<16xf32>
      %select_n3A_899 = arith.select %eq3A_896, %add3A_898, %select_n3A_848 : vector<16xi1>, vector<16xf32>
      %add3A_900 = arith.constant 13 : i32
      %add3A_901 = arith.addi %mul3A_230, %add3A_900 : i32
      %get3A_902 = arith.index_cast %select_n3A : i32 to index
      %get3A_903 = arith.index_cast %add3A_901 : i32 to index
      %get3A_904 = arith.constant 0 : index
      %get3A_905 = tpu.vector_load %arg11[%get3A_902, %get3A_903, %get3A_904] {strides = array<i32>} : memref<4x128x64xf32, #tpu.memory_space<vmem>>, vector<16xf32>,
      %get3A_906 = arith.index_cast %select_n3A : i32 to index
      %get3A_907 = arith.index_cast %add3A_901 : i32 to index
      %get3A_908 = arith.constant 0 : index
      %get3A_909 = tpu.vector_load %arg12[%get3A_906, %get3A_907, %get3A_908] {strides = array<i32>} : memref<4x128x64xf32, #tpu.memory_space<vmem>>, vector<16xf32>,
      %mul3A_910 = arith.mulf %get3A_905, %get3A_909 : vector<16xf32>
      %get3A_911 = arith.index_cast %select_n3A : i32 to index
      %get3A_912 = arith.index_cast %add3A_901 : i32 to index
      %get3A_913 = arith.constant 16 : index
      %get3A_914 = tpu.vector_load %arg11[%get3A_911, %get3A_912, %get3A_913] {strides = array<i32>} : memref<4x128x64xf32, #tpu.memory_space<vmem>>, vector<16xf32>,
      %get3A_915 = arith.index_cast %select_n3A : i32 to index
      %get3A_916 = arith.index_cast %add3A_901 : i32 to index
      %get3A_917 = arith.constant 16 : index
      %get3A_918 = tpu.vector_load %arg12[%get3A_915, %get3A_916, %get3A_917] {strides = array<i32>} : memref<4x128x64xf32, #tpu.memory_space<vmem>>, vector<16xf32>,
      %mul3A_919 = arith.mulf %get3A_914, %get3A_918 : vector<16xf32>
      %add3A_920 = arith.addf %mul3A_910, %mul3A_919 : vector<16xf32>
      %get3A_921 = arith.index_cast %select_n3A : i32 to index
      %get3A_922 = arith.index_cast %add3A_901 : i32 to index
      %get3A_923 = arith.constant 32 : index
      %get3A_924 = tpu.vector_load %arg11[%get3A_921, %get3A_922, %get3A_923] {strides = array<i32>} : memref<4x128x64xf32, #tpu.memory_space<vmem>>, vector<16xf32>,
      %get3A_925 = arith.index_cast %select_n3A : i32 to index
      %get3A_926 = arith.index_cast %add3A_901 : i32 to index
      %get3A_927 = arith.constant 32 : index
      %get3A_928 = tpu.vector_load %arg12[%get3A_925, %get3A_926, %get3A_927] {strides = array<i32>} : memref<4x128x64xf32, #tpu.memory_space<vmem>>, vector<16xf32>,
      %mul3A_929 = arith.mulf %get3A_924, %get3A_928 : vector<16xf32>
      %add3A_930 = arith.addf %add3A_920, %mul3A_929 : vector<16xf32>
      %get3A_931 = arith.index_cast %select_n3A : i32 to index
      %get3A_932 = arith.index_cast %add3A_901 : i32 to index
      %get3A_933 = arith.constant 48 : index
      %get3A_934 = tpu.vector_load %arg11[%get3A_931, %get3A_932, %get3A_933] {strides = array<i32>} : memref<4x128x64xf32, #tpu.memory_space<vmem>>, vector<16xf32>,
      %get3A_935 = arith.index_cast %select_n3A : i32 to index
      %get3A_936 = arith.index_cast %add3A_901 : i32 to index
      %get3A_937 = arith.constant 48 : index
      %get3A_938 = tpu.vector_load %arg12[%get3A_935, %get3A_936, %get3A_937] {strides = array<i32>} : memref<4x128x64xf32, #tpu.memory_space<vmem>>, vector<16xf32>,
      %mul3A_939 = arith.mulf %get3A_934, %get3A_938 : vector<16xf32>
      %add3A_940 = arith.addf %add3A_930, %mul3A_939 : vector<16xf32>
      %reduce_sum3A_941 = arith.constant true
      %reduce_sum3A_942 = vector.broadcast %reduce_sum3A_941 : i1 to vector<16xi1>
      %reduce_sum3A_943 = tpu.scan <sum>, %add3A_940 masked %reduce_sum3A_942 : vector<16xf32>, vector<16xi1> -> vector<16xf32>
      %reduce_sum3A_944 = vector.extract %reduce_sum3A_943[15] : f32 from vector<16xf32>
      %eq3A_945 = arith.constant 13 : i32
      %eq3A_946 = vector.broadcast %eq3A_945 : i32 to vector<16xi32>
      %eq3A_947 = arith.cmpi eq, %iota3A, %eq3A_946 : vector<16xi32>
      %add3A_948 = vector.broadcast %reduce_sum3A_944 : f32 to vector<16xf32>
      %add3A_949 = arith.addf %select_n3A_899, %add3A_948 : vector<16xf32>
      %select_n3A_950 = arith.select %eq3A_947, %add3A_949, %select_n3A_899 : vector<16xi1>, vector<16xf32>
      %add3A_951 = arith.constant 14 : i32
      %add3A_952 = arith.addi %mul3A_230, %add3A_951 : i32
      %get3A_953 = arith.index_cast %select_n3A : i32 to index
      %get3A_954 = arith.index_cast %add3A_952 : i32 to index
      %get3A_955 = arith.constant 0 : index
      %get3A_956 = tpu.vector_load %arg11[%get3A_953, %get3A_954, %get3A_955] {strides = array<i32>} : memref<4x128x64xf32, #tpu.memory_space<vmem>>, vector<16xf32>,
      %get3A_957 = arith.index_cast %select_n3A : i32 to index
      %get3A_958 = arith.index_cast %add3A_952 : i32 to index
      %get3A_959 = arith.constant 0 : index
      %get3A_960 = tpu.vector_load %arg12[%get3A_957, %get3A_958, %get3A_959] {strides = array<i32>} : memref<4x128x64xf32, #tpu.memory_space<vmem>>, vector<16xf32>,
      %mul3A_961 = arith.mulf %get3A_956, %get3A_960 : vector<16xf32>
      %get3A_962 = arith.index_cast %select_n3A : i32 to index
      %get3A_963 = arith.index_cast %add3A_952 : i32 to index
      %get3A_964 = arith.constant 16 : index
      %get3A_965 = tpu.vector_load %arg11[%get3A_962, %get3A_963, %get3A_964] {strides = array<i32>} : memref<4x128x64xf32, #tpu.memory_space<vmem>>, vector<16xf32>,
      %get3A_966 = arith.index_cast %select_n3A : i32 to index
      %get3A_967 = arith.index_cast %add3A_952 : i32 to index
      %get3A_968 = arith.constant 16 : index
      %get3A_969 = tpu.vector_load %arg12[%get3A_966, %get3A_967, %get3A_968] {strides = array<i32>} : memref<4x128x64xf32, #tpu.memory_space<vmem>>, vector<16xf32>,
      %mul3A_970 = arith.mulf %get3A_965, %get3A_969 : vector<16xf32>
      %add3A_971 = arith.addf %mul3A_961, %mul3A_970 : vector<16xf32>
      %get3A_972 = arith.index_cast %select_n3A : i32 to index
      %get3A_973 = arith.index_cast %add3A_952 : i32 to index
      %get3A_974 = arith.constant 32 : index
      %get3A_975 = tpu.vector_load %arg11[%get3A_972, %get3A_973, %get3A_974] {strides = array<i32>} : memref<4x128x64xf32, #tpu.memory_space<vmem>>, vector<16xf32>,
      %get3A_976 = arith.index_cast %select_n3A : i32 to index
      %get3A_977 = arith.index_cast %add3A_952 : i32 to index
      %get3A_978 = arith.constant 32 : index
      %get3A_979 = tpu.vector_load %arg12[%get3A_976, %get3A_977, %get3A_978] {strides = array<i32>} : memref<4x128x64xf32, #tpu.memory_space<vmem>>, vector<16xf32>,
      %mul3A_980 = arith.mulf %get3A_975, %get3A_979 : vector<16xf32>
      %add3A_981 = arith.addf %add3A_971, %mul3A_980 : vector<16xf32>
      %get3A_982 = arith.index_cast %select_n3A : i32 to index
      %get3A_983 = arith.index_cast %add3A_952 : i32 to index
      %get3A_984 = arith.constant 48 : index
      %get3A_985 = tpu.vector_load %arg11[%get3A_982, %get3A_983, %get3A_984] {strides = array<i32>} : memref<4x128x64xf32, #tpu.memory_space<vmem>>, vector<16xf32>,
      %get3A_986 = arith.index_cast %select_n3A : i32 to index
      %get3A_987 = arith.index_cast %add3A_952 : i32 to index
      %get3A_988 = arith.constant 48 : index
      %get3A_989 = tpu.vector_load %arg12[%get3A_986, %get3A_987, %get3A_988] {strides = array<i32>} : memref<4x128x64xf32, #tpu.memory_space<vmem>>, vector<16xf32>,
      %mul3A_990 = arith.mulf %get3A_985, %get3A_989 : vector<16xf32>
      %add3A_991 = arith.addf %add3A_981, %mul3A_990 : vector<16xf32>
      %reduce_sum3A_992 = arith.constant true
      %reduce_sum3A_993 = vector.broadcast %reduce_sum3A_992 : i1 to vector<16xi1>
      %reduce_sum3A_994 = tpu.scan <sum>, %add3A_991 masked %reduce_sum3A_993 : vector<16xf32>, vector<16xi1> -> vector<16xf32>
      %reduce_sum3A_995 = vector.extract %reduce_sum3A_994[15] : f32 from vector<16xf32>
      %eq3A_996 = arith.constant 14 : i32
      %eq3A_997 = vector.broadcast %eq3A_996 : i32 to vector<16xi32>
      %eq3A_998 = arith.cmpi eq, %iota3A, %eq3A_997 : vector<16xi32>
      %add3A_999 = vector.broadcast %reduce_sum3A_995 : f32 to vector<16xf32>
      %add3A_1000 = arith.addf %select_n3A_950, %add3A_999 : vector<16xf32>
      %select_n3A_1001 = arith.select %eq3A_998, %add3A_1000, %select_n3A_950 : vector<16xi1>, vector<16xf32>
      %add3A_1002 = arith.constant 15 : i32
      %add3A_1003 = arith.addi %mul3A_230, %add3A_1002 : i32
      %get3A_1004 = arith.index_cast %select_n3A : i32 to index
      %get3A_1005 = arith.index_cast %add3A_1003 : i32 to index
      %get3A_1006 = arith.constant 0 : index
      %get3A_1007 = tpu.vector_load %arg11[%get3A_1004, %get3A_1005, %get3A_1006] {strides = array<i32>} : memref<4x128x64xf32, #tpu.memory_space<vmem>>, vector<16xf32>,
      %get3A_1008 = arith.index_cast %select_n3A : i32 to index
      %get3A_1009 = arith.index_cast %add3A_1003 : i32 to index
      %get3A_1010 = arith.constant 0 : index
      %get3A_1011 = tpu.vector_load %arg12[%get3A_1008, %get3A_1009, %get3A_1010] {strides = array<i32>} : memref<4x128x64xf32, #tpu.memory_space<vmem>>, vector<16xf32>,
      %mul3A_1012 = arith.mulf %get3A_1007, %get3A_1011 : vector<16xf32>
      %get3A_1013 = arith.index_cast %select_n3A : i32 to index
      %get3A_1014 = arith.index_cast %add3A_1003 : i32 to index
      %get3A_1015 = arith.constant 16 : index
      %get3A_1016 = tpu.vector_load %arg11[%get3A_1013, %get3A_1014, %get3A_1015] {strides = array<i32>} : memref<4x128x64xf32, #tpu.memory_space<vmem>>, vector<16xf32>,
      %get3A_1017 = arith.index_cast %select_n3A : i32 to index
      %get3A_1018 = arith.index_cast %add3A_1003 : i32 to index
      %get3A_1019 = arith.constant 16 : index
      %get3A_1020 = tpu.vector_load %arg12[%get3A_1017, %get3A_1018, %get3A_1019] {strides = array<i32>} : memref<4x128x64xf32, #tpu.memory_space<vmem>>, vector<16xf32>,
      %mul3A_1021 = arith.mulf %get3A_1016, %get3A_1020 : vector<16xf32>
      %add3A_1022 = arith.addf %mul3A_1012, %mul3A_1021 : vector<16xf32>
      %get3A_1023 = arith.index_cast %select_n3A : i32 to index
      %get3A_1024 = arith.index_cast %add3A_1003 : i32 to index
      %get3A_1025 = arith.constant 32 : index
      %get3A_1026 = tpu.vector_load %arg11[%get3A_1023, %get3A_1024, %get3A_1025] {strides = array<i32>} : memref<4x128x64xf32, #tpu.memory_space<vmem>>, vector<16xf32>,
      %get3A_1027 = arith.index_cast %select_n3A : i32 to index
      %get3A_1028 = arith.index_cast %add3A_1003 : i32 to index
      %get3A_1029 = arith.constant 32 : index
      %get3A_1030 = tpu.vector_load %arg12[%get3A_1027, %get3A_1028, %get3A_1029] {strides = array<i32>} : memref<4x128x64xf32, #tpu.memory_space<vmem>>, vector<16xf32>,
      %mul3A_1031 = arith.mulf %get3A_1026, %get3A_1030 : vector<16xf32>
      %add3A_1032 = arith.addf %add3A_1022, %mul3A_1031 : vector<16xf32>
      %get3A_1033 = arith.index_cast %select_n3A : i32 to index
      %get3A_1034 = arith.index_cast %add3A_1003 : i32 to index
      %get3A_1035 = arith.constant 48 : index
      %get3A_1036 = tpu.vector_load %arg11[%get3A_1033, %get3A_1034, %get3A_1035] {strides = array<i32>} : memref<4x128x64xf32, #tpu.memory_space<vmem>>, vector<16xf32>,
      %get3A_1037 = arith.index_cast %select_n3A : i32 to index
      %get3A_1038 = arith.index_cast %add3A_1003 : i32 to index
      %get3A_1039 = arith.constant 48 : index
      %get3A_1040 = tpu.vector_load %arg12[%get3A_1037, %get3A_1038, %get3A_1039] {strides = array<i32>} : memref<4x128x64xf32, #tpu.memory_space<vmem>>, vector<16xf32>,
      %mul3A_1041 = arith.mulf %get3A_1036, %get3A_1040 : vector<16xf32>
      %add3A_1042 = arith.addf %add3A_1032, %mul3A_1041 : vector<16xf32>
      %reduce_sum3A_1043 = arith.constant true
      %reduce_sum3A_1044 = vector.broadcast %reduce_sum3A_1043 : i1 to vector<16xi1>
      %reduce_sum3A_1045 = tpu.scan <sum>, %add3A_1042 masked %reduce_sum3A_1044 : vector<16xf32>, vector<16xi1> -> vector<16xf32>
      %reduce_sum3A_1046 = vector.extract %reduce_sum3A_1045[15] : f32 from vector<16xf32>
      %eq3A_1047 = arith.constant 15 : i32
      %eq3A_1048 = vector.broadcast %eq3A_1047 : i32 to vector<16xi32>
      %eq3A_1049 = arith.cmpi eq, %iota3A, %eq3A_1048 : vector<16xi32>
      %add3A_1050 = vector.broadcast %reduce_sum3A_1046 : f32 to vector<16xf32>
      %add3A_1051 = arith.addf %select_n3A_1001, %add3A_1050 : vector<16xf32>
      %select_n3A_1052 = arith.select %eq3A_1049, %add3A_1051, %select_n3A_1001 : vector<16xi1>, vector<16xf32>
      %mul3A_1053 = arith.constant 16 : i32
      %mul3A_1054 = arith.muli %scan3A_198, %mul3A_1053 : i32
      %swap3A = arith.index_cast %mul3A_1054 : i32 to index
      %swap3A_1055 = tpu.vector_load %arg15[%swap3A] {strides = array<i32>} : memref<512xf32, #tpu.memory_space<vmem>>, vector<16xf32>,
      tpu.vector_store %arg15[%swap3A], %select_n3A_1052 {strides = array<i32>} : memref<512xf32, #tpu.memory_space<vmem>>, vector<16xf32>,
    }
    %scan3A_197 = arith.constant 32 : i32
    "tpu.region"() ({
      %run_scoped3A = tpu.sem_alloc : memref<!tpu.dma_semaphore, #tpu.memory_space<semaphore_mem>>
      %dma_start3A_198 = tpu.memref_slice %arg8[%mul3A_2] : memref<16384xf32, #tpu.memory_space<hbm>> -> memref<512xf32, #tpu.memory_space<hbm>>
      %dma_start3A_199 = tpu.memref_slice %arg8[%mul3A_2] : memref<16384xf32, #tpu.memory_space<hbm>> -> memref<512xf32, #tpu.memory_space<hbm>>
      tpu.enqueue_dma source(%arg15 : memref<512xf32, #tpu.memory_space<vmem>>) target(%dma_start3A_199 : memref<512xf32, #tpu.memory_space<hbm>>) target_semaphore(%run_scoped3A : memref<!tpu.dma_semaphore, #tpu.memory_space<semaphore_mem>>)
      %dma_wait3A_200 = tpu.memref_slice %arg8[%mul3A_2] : memref<16384xf32, #tpu.memory_space<hbm>> -> memref<512xf32, #tpu.memory_space<hbm>>
      %dma_wait3A_201 = tpu.memref_slice %arg8[%mul3A_2] : memref<16384xf32, #tpu.memory_space<hbm>> -> memref<512xf32, #tpu.memory_space<hbm>>
      tpu.wait_dma2 semaphore(%run_scoped3A : memref<!tpu.dma_semaphore, #tpu.memory_space<semaphore_mem>>) src(%arg15 : memref<512xf32, #tpu.memory_space<vmem>>) dst(%dma_wait3A_201 : memref<512xf32, #tpu.memory_space<hbm>>)
      tpu.yield
    }) : () -> ()
    return
  }
}

</mosaic_0001>

<sc_bundles>
// kernel: kernel.3.cloned.1.call-start
scs
__scs_entry_jumppad:
0x0: {  	(pc) =	sbr.rel $0x88, $3  }
0x1: {  	(tag) =	ssettag $0x0;
	lr =	simm.s32 $0x1  }
0x2: {  	[smem:$0x3F9B] =	sst lr;
	_ =	strace $0xD0000000  }
0x3: {  	_ = 	snop  }
0x4: {  	_ = 	snop  }
0x5: {  	_ = 	snop  }
0x6: {  	_ = 	snop  }
0x7: {  	_ = 	snop  }
__scs_overlays_trampoline_lowered:
0x8: {  	[smem:$0x3FAA] =	sst s0  }
0x9: {  	[smem:$0x3FAB] =	sst s1  }
0xa: {  	[smem:$0x3FAC] =	sst s2  }
0xb: {  	[smem:$0x3FAD] =	sst s3  }
0xc: {  	[smem:$0x3FAE] =	sst s4  }
0xd: {  	[smem:$0x3FAF] =	sst s5  }
0xe: {  	[smem:$0x3FB0] =	sst s6  }
0xf: {  	[smem:$0x3FB1] =	sst s7  }
0x10: {  	[smem:$0x3FB2] =	sst s8  }
0x11: {  	[smem:$0x3FB3] =	sst s9;
	s0 =	simm.s32 @!p0 $0x0  }
0x12: {  	s1 =	sld [smem:$0x3F99];
	s0 =	simm.s32 @p0 $0x1  }
0x13: {  	[smem:$0x3FB4] =	sst s0;
	s0 =	simm.s32 @!p1 $0x0  }
0x14: {  	s2 =	sld [smem:$0x3F98];
	s0 =	simm.s32 @p1 $0x1  }
0x15: {  	[smem:$0x3FB5] =	sst s0;
	s0 =	simm.s32 @!p2 $0x0  }
0x16: {  	s3 =	sld [smem:$0x3FDB];
	s0 =	simm.s32 @p2 $0x1  }
0x17: {  	s4 =	simm.s32 $0x1BF5;
	[smem:$0x3FB7] =	sst s0  }
0x18: {  	s0 =	sld [smem:$0x3F9A];
	_ =	swait.ge [sflag:s4], $0x0  }
0x19: {  	s7 =	sld [smem:$0x3F9B]  }
0x1a: {  	s8 =	sadd.s32 $0xFFFFE003, lr  }
0x1b: {  	s9 =	sadd.s32 $0xFFFFFEF7, lr;
	s5 =	simm.s32 $0xFFFFFFFF;
	p2 =	slt.u32 s8, $0xFFFFF086  }
0x1c: {  	p1 =	slt.u32 s9, $0xF7A;
	s5 =	simm.s32 @!p2 $0x0  }
0x1d: {  	s5 =	simm.s32 @p1 $0x1;
	p0 =	seq.s32 s7, s2  }
0x1e: {  	s7 =	smul.u32 @!p0 $0xF7A, s2;
	p2 =	seq.s32 @!p0 s5, $0x0  }
0x1f: {  	s9 =	smul.u32 $0xF7A, s1;
	s8 =	simm.s32 @!p0 $0x1BF5;
	p2 =	por !p2, p0  }
0x20: {  	[sflag:s8] =	ssyncset.s32 @!p0 $0xFFFFF086;
	s6 =	sadd.s32 @!p0 s3, s7;
	s7 =	simm.s32 @!p0 $0x108  }
0x21: {  	s3 =	sadd.s32 s3, s9;
	s6 =	sadd.s32 @!p0 $0x88, s6;
	s7 =	simm.s32 @p2 $0x1082  }
0x22: {  	[simem:s7], [sflag:s8] =	dma.local @!p0 [hbm:s6], $0xF7A  }
0x23: {  	s9 =	sor.u32 $0xD0000000, s2;
	s6 =	simm.s32 $0x108;
	_ =	swait.ge @!p0 [sflag:s8], $0x0  }
0x24: {  	s3 =	sadd.s32 $0x88, s3;
	s6 =	simm.s32 @!p1 $0x1082;
	[sflag:s4] =	ssyncset.s32 $0xFFFFF086  }
0x25: {  	[simem:s6], [sflag:s4] =	dma.local [hbm:s3], $0xF7A  }
0x26: {  	[smem:$0x3F9B] =	sst s1;
	(tag) =	ssettag s2;
	_ =	strace s9  }
0x27: {  	s1 =	sld [smem:$0x3FAB]  }
0x28: {  	s2 =	sld [smem:$0x3FAC]  }
0x29: {  	s4 =	sld [smem:$0x3FAE]  }
0x2a: {  	p0 =	seq.s32 s5, $0x0;
	s5 =	sld [smem:$0x3FAF]  }
0x2b: {  	s6 =	sld [smem:$0x3FB0]  }
0x2c: {  	s7 =	sld [smem:$0x3FB1]  }
0x2d: {  	s3 =	simm.s32 $0x108;
	s8 =	sld [smem:$0x3FB2]  }
0x2e: {  	s3 =	simm.s32 @!p0 $0x1082;
	s9 =	sld [smem:$0x3FB3]  }
0x2f: {  	lr =	sadd.s32 s0, s3;
	s0 =	sld [smem:$0x3FAA]  }
0x30: {  	s3 =	sld [smem:$0x3FAD]  }
0x31: {  	[smem:$0x3FB6] =	sst s10  }
0x32: {  	s10 =	sld [smem:$0x3FB4];
	_ =	sdelay $0x3  }
0x33: {  	p0 =	seq.s32 s10, $0x1;
	s10 =	sld [smem:$0x3FB6];
	_ =	sdelay $0x3  }
0x34: {  	[smem:$0x3FB6] =	sst s10  }
0x35: {  	s10 =	sld [smem:$0x3FB5];
	_ =	sdelay $0x3  }
0x36: {  	p1 =	seq.s32 s10, $0x1;
	s10 =	sld [smem:$0x3FB6];
	_ =	sdelay $0x3  }
0x37: {  	[smem:$0x3FB6] =	sst s10  }
0x38: {  	s10 =	sld [smem:$0x3FB7]  }
0x39: {  	_ = 	snop;
	(pc) =	sbr.ind lr, $3  }
0x3a: {  	_ = 	snop  }
0x3b: {  	_ = 	snop  }
0x3c: {  	p2 =	seq.s32 s10, $0x1;
	s10 =	sld [smem:$0x3FB6]  }
0x3d: {  	_ =	shalt  }
0x3e: {  	_ =	shalt  }
0x3f: {  	_ =	shalt  }
0x40: {  	_ =	shalt  }
0x41: {  	_ =	shalt  }
0x42: {  	_ =	shalt  }
0x43: {  	_ =	shalt  }
0x44: {  	_ =	shalt  }
0x45: {  	_ =	shalt  }
0x46: {  	_ =	shalt  }
0x47: {  	_ =	shalt  }
0x48: {  	_ =	shalt  }
0x49: {  	_ =	shalt  }
0x4a: {  	_ =	shalt  }
0x4b: {  	_ =	shalt  }
0x4c: {  	_ =	shalt  }
0x4d: {  	_ =	shalt  }
0x4e: {  	_ =	shalt  }
0x4f: {  	_ =	shalt  }
0x50: {  	_ =	shalt  }
0x51: {  	_ =	shalt  }
0x52: {  	_ =	shalt  }
0x53: {  	_ =	shalt  }
0x54: {  	_ =	shalt  }
0x55: {  	_ =	shalt  }
0x56: {  	_ =	shalt  }
0x57: {  	_ =	shalt  }
0x58: {  	_ =	shalt  }
0x59: {  	_ =	shalt  }
0x5a: {  	_ =	shalt  }
0x5b: {  	_ =	shalt  }
0x5c: {  	_ =	shalt  }
0x5d: {  	_ =	shalt  }
0x5e: {  	_ =	shalt  }
0x5f: {  	_ =	shalt  }
0x60: {  	_ =	shalt  }
0x61: {  	_ =	shalt  }
0x62: {  	_ =	shalt  }
0x63: {  	_ =	shalt  }
0x64: {  	_ =	shalt  }
0x65: {  	_ =	shalt  }
0x66: {  	_ =	shalt  }
0x67: {  	_ =	shalt  }
0x68: {  	_ =	shalt  }
0x69: {  	_ =	shalt  }
0x6a: {  	_ =	shalt  }
0x6b: {  	_ =	shalt  }
0x6c: {  	_ =	shalt  }
0x6d: {  	_ =	shalt  }
0x6e: {  	_ =	shalt  }
0x6f: {  	_ =	shalt  }
0x70: {  	_ =	shalt  }
0x71: {  	_ =	shalt  }
0x72: {  	_ =	shalt  }
0x73: {  	_ =	shalt  }
0x74: {  	_ =	shalt  }
0x75: {  	_ =	shalt  }
0x76: {  	_ =	shalt  }
0x77: {  	_ =	shalt  }
0x78: {  	_ =	shalt  }
0x79: {  	_ =	shalt  }
0x7a: {  	_ =	shalt  }
0x7b: {  	_ =	shalt  }
0x7c: {  	_ =	shalt  }
0x7d: {  	_ =	shalt  }
0x7e: {  	_ =	shalt  }
0x7f: {  	_ =	shalt  }
0x80: {  	_ =	shalt  }
0x81: {  	_ =	shalt  }
0x82: {  	_ =	shalt  }
0x83: {  	_ =	shalt  }
0x84: {  	_ =	shalt  }
0x85: {  	_ =	shalt  }
0x86: {  	_ =	shalt  }
0x87: {  	_ =	shalt  }
.Lfunc_end0:
.L_simem_size_0:
called_computation_lowered:
.L_overlay_start_0:
0x88: {  	s2 =	sld [smem:$0x3FD9]  }
0x89: {  	s3 =	sld [smem:$0x3FFE];
	_ =	sdelay $0x1  }
0x8a: {  	s1 =	srdreg.scid  }
0x8b: {  	s0 =	sand.u32 $0x1, s1  }
0x8c: {  	s17 =	sshll.u32 s0, $0xA;
	s2 =	sadd.s32 s3, s2  }
0x8d: {  	s2 =	sadd.s32 s2, s17  }
0x8e: {  	[smem:$0x3FC2] =	sst s2  }
0x8f: {  	_ = 	snop  }
0x90: {  	s2 =	sld [smem:$0x3FC9]  }
0x91: {  	s18 =	sld [smem:$0x3FC8]  }
0x92: {  	s4 =	sld [smem:$0x3FC5]  }
0x93: {  	s5 =	sld [smem:$0x3FC4]  }
0x94: {  	s6 =	sld [smem:$0x3FD0];
	(tm) =	ssettm $0x1  }
0x95: {  	s7 =	sld [smem:$0x3FFB];
	_ =	sdelay $0x3  }
0x96: {  	_ =	strace s7  }
0x97: {  	s7 =	sld [smem:$0x3FFC];
	_ =	sdelay $0x3  }
0x98: {  	_ =	strace s7  }
0x99: {  	s7 =	sld [smem:$0x3FFD];
	_ =	sdelay $0x3  }
0x9a: {  	_ =	strace s7  }
0x9b: {  	_ =	strace $0x8FFFFFFF  }
0x9c: {  	s19 =	sld [smem:$0x3FDB];
	_ =	sdelay $0x1  }
0x9d: {  	s8 =	simm.s32 $_scs_section_size  }
0x9e: {  	s9 =	simm.s32 $_size__tile_overlayer_lowered;
	s10 =	simm.s32 $_tile_overlayer_lowered  }
0x9f: {  	s22 =	simm.s32 $0x1BFF;
	s21 =	sshll.u32 s10, $0x1;
	s7 =	sadd.s32 s8, s19  }
0xa0: {  	s11 =	simm.s32 $0x0;
	s20 =	sshll.u32 s9, $0x1;
	s9 =	sadd.s32 s21, s7  }
0xa1: {  	[timem:s11], [sflag:s22] =	dma.local [hbm:s9], s20  }
0xa2: {  	_ =	swait.ge [sflag:s22], s20  }
0xa3: {  	s8 =	ssub.s32 $0x0, s20;
	[sflag:s22] =	ssyncset.done $0x0  }
0xa4: {  	[sflag:s22] =	ssyncadd.s32 s8;
	_ =	sdelay $0x1  }
0xa5: {  	s23 =	simm.s32 $0x1B8B  }
0xa6: {  	_ =	swait.ge [sflag:s23], $0x1  }
0xa7: {  	[sflag:s23] =	ssyncset.done $0x0  }
0xa8: {  	s25 =	simm.s32 $0x1B8E;
	s24 =	sld [smem:$0x3FFE];
	[sflag:s23] =	ssyncadd.s32 $0xFFFFFFFF  }
0xa9: {  	s26 =	simm.s32 $execute0_lowered;
	[smem:$0x3FD2] =	sst s25  }
0xaa: {  	s9 =	sshll.u32 s26, $0x1;
	_ =	strace $0x80000046;
	[dreg:$0x1] =	wrdreg $0xFFFFFFFF  }
0xab: {  	s28 =	simm.s32 $_size_execute0_lowered;
	s7 =	sadd.s32 s7, s9;
	[dreg:$0x0] =	wrdreg $0x0  }
0xac: {  	s9 =	sshll.u32 s28, $0x1;
	[dreg:$0x2] =	wrdreg s7  }
0xad: {  	[dreg:$0x3] =	wrdreg s9  }
0xae: {  	[dreg:$0x4] =	wrdreg $0xC0  }
0xaf: {  	_ =	task [dreg:s11], $0x5FFFF  }
0xb0: {  	[dreg:$0x1] =	wrdreg $0xFFFFFFFF  }
0xb1: {  	[dreg:$0x0] =	wrdreg $0x60  }
0xb2: {  	[dreg:$0x2] =	wrdreg s2  }
0xb3: {  	[dreg:$0x3] =	wrdreg s18  }
0xb4: {  	[dreg:$0x4] =	wrdreg s24  }
0xb5: {  	[dreg:$0x5] =	wrdreg s4  }
0xb6: {  	[dreg:$0x6] =	wrdreg s5  }
0xb7: {  	[dreg:$0x7] =	wrdreg s6  }
0xb8: {  	[dreg:$0x8] =	wrdreg $0x9  }
0xb9: {  	_ =	task.clear_ibuf [dreg:s11], $0x9FFFF;
	_ =	strace $0x90000046  }
0xba: {  	s29 =	simm.s32 $0x9;
	_ =	strace $0x80000048  }
0xbb: {  	_ =	swait.ge [sflag:s29], $0x1  }
0xbc: {  	[sflag:s29] =	ssyncadd.s32 $0xFFFFFFFF  }
0xbd: {  	_ =	strace $0x90000048  }
0xbe: {  	_ =	sfence  }
0xbf: {  	s30 =	sld [smem:$0x0];
	_ =	sdelay $0x2  }
0xc0: {  	s31 =	sshll.u32 s1, $0xD;
	s1 =	sshrl.u32 s1, $0x2  }
0xc1: {  	s3 =	sand.u32 $0x4000, s31;
	s1 =	sadd.s32 s1, s30  }
0xc2: {  	s0 =	sor.u32 s3, s0;
	s1 =	sshll.u32 s1, $0x11  }
0xc3: {  	s0 =	sor.u32 s1, s0  }
0xc4: {  	s0 =	sadd.s32 $0x8F2B, s0  }
0xc5: {  	[sflag:s0] =	ssyncadd.remote.s32 $0x1  }
0xc6: {  	_ =	sfence.sel $0xFFFF  }
0xc7: {  	[dreg:$0x0] =	wrdreg $0xFFFFFFFF;
	(pc) =	sbr.abs _section_cstart, $3  }
0xc8: {  	[dreg:$0x1] =	wrdreg $0xFFFFFFFF  }
0xc9: {  	_ =	task.clear_ibuf [dreg:s11], $0x2FFFF;
	_ =	strace $0x9FFFFFFF  }
0xca: {  	(tm) =	ssettm $0x7FFFFFFF  }
0xcb: {  	_ =	shalt  }
tec
execute0_lowered:
.L_overlay_start_1:
0x0: {  	(tag) =	ssettag $0x1  }
0x1: {  	s0 =	rddreg [dreg:$0x0]  }
0x2: {  	s1 =	rddreg [dreg:$0x1]  }
0x3: {  	s2 =	rddreg [dreg:$0x2]  }
0x4: {  	s3 =	rddreg [dreg:$0x5]  }
0x5: {  	s4 =	simm.s32 $0x0;
	s5 =	srdreg.scid;
	s6 =	stileid.u32  }
0x6: {  	s11 =	simm.s32 $0x2;
	s12 =	simm.s32 $0x200;
	s13 =	simm.s32 $0x80  }
0x7: {  	s17 =	simm.s32 $0x280;
	s18 =	simm.s32 $0xA400;
	s19 =	simm.s32 $0x100  }
0x8: {  	s20 =	simm.s32 $0x4400;
	s21 =	simm.s32 $0x300;
	s22 =	simm.s32 $0xC400  }
0x9: {  	vm0 =	vmmov $0x1;
	s23 =	simm.s32 $0x180;
	s24 =	simm.s32 $0x6400;
	s25 =	simm.s32 $0x380  }
0xa: {  	vm1 =	vcmask $0x30C;
	vm2 =	vcmask $0xF0C;
	vm3 =	vcmask $0x714;
	s28 =	simm.s32 $0x10400;
	s29 =	simm.s32 $0x107E8;
	s30 =	simm.s32 $0x1  }
0xb: {  	vm4 =	vcmask $0xF18;
	vm5 =	vcmask $0x131C;
	vm6 =	vcmask $0x1F1C;
	s31 =	simm.s32 $0x10BD0;
	[smem:$0x7FF] =	sst s4;
	s5 =	sand.u32 $0x1, s5  }
0xc: {  	vm7 =	vcmask $0x1724;
	vm8 =	vcmask $0x1F28;
	vm9 =	vcmask $0x232C;
	s6 =	sshll.u32 s6, $0x7;
	_ =	strace $0x80000047;
	s7 =	ssub.s32 $0x2, s5  }
0xd: {  	vm10 =	vcmask $0x2F2C;
	vm11 =	vcmask $0x2734;
	vm12 =	vcmask $0x2F38;
	s8 =	sshll.u32 s5, $0x6;
	s5 =	sadd.s32 $0x600, s2;
	s9 =	sshrl.u32 s7, $0x1  }
0xe: {  	vm13 =	vcmask $0x333C;
	vm14 =	vmmov $0x3fff;
	vm15 =	vmmov $0x7fff;
	s10 =	sor.u32 s8, s6;
	s6 =	sadd.s32 $0x2600, s2;
	s26 =	ssub.s32 s7, s9  }
0xf: {  	vm2 =	vmor vm3, vm2;
	vm3 =	vcmask $0xB14;
	vm6 =	vmor vm7, vm6;
	s7 =	sadd.s32 s0, s10;
	s8 =	sadd.s32 s1, s10;
	s9 =	sadd.s32 s3, s10  }
0x10: {  	vm7 =	vcmask $0x1B24;
	vm10 =	vmor vm11, vm10;
	vm11 =	vcmask $0x2B34;
	s0 =	simm.s32 $0x0;
	s10 =	smax.u32 s26, $0x1;
	s26 =	simm.s32 $0xE400  }
.LBB2_1:
0x11: {  	[tilespmem:s4], [sflag:$0x2] =	stream.linear.gather [hbm4b:s7+s4], $0x200, $0x38;
	[tilespmem:$0x10DD0] =	vst v63  }
0x12: {  	_ =	swait.ge [sflag:s11], $0x200  }
0x13: {  	[sflag:s11] =	ssyncset.done $0x0  }
0x14: {  	[sflag:s11] =	ssyncadd.s32 $0xFFFFFE00  }
0x15: {  	[tilespmem:s12], [sflag:$0x2] =	stream.linear.gather [hbm4b:s8+s4], $0x200, $0x38;
	[tilespmem:$0x10DD0] =	vst v63  }
0x16: {  	_ =	swait.ge [sflag:s11], $0x200  }
0x17: {  	[sflag:s11] =	ssyncset.done $0x0  }
0x18: {  	s1 =	simm.s32 $0x400;
	[sflag:s11] =	ssyncadd.s32 $0xFFFFFE00  }
0x19: {  	[tilespmem:s1], [sflag:$0x1] =	stream.indirect.gather [hbm4b:s5+s13], $0x40, s4, s13, $0xb8;
	[tilespmem:$0x10DD0] =	vst v63  }
0x1a: {  	s3 =	simm.s32 $0x8400  }
0x1b: {  	[tilespmem:s3], [sflag:$0x1] =	stream.indirect.gather [hbm4b:s6+s13], $0x40, s12, s13, $0xb8;
	[tilespmem:$0x10DD0] =	vst v63  }
0x1c: {  	s14 =	simm.s32 $0x2400  }
0x1d: {  	[tilespmem:s14], [sflag:$0x1] =	stream.indirect.gather [hbm4b:s5+s13], $0x40, s13, s13, $0xb8;
	[tilespmem:$0x10DD0] =	vst v63  }
0x1e: {  	_ = 	snop  }
0x1f: {  	[tilespmem:s18], [sflag:$0x1] =	stream.indirect.gather [hbm4b:s6+s13], $0x40, s17, s13, $0xb8;
	[tilespmem:$0x10DD0] =	vst v63  }
0x20: {  	_ = 	snop  }
0x21: {  	[tilespmem:s20], [sflag:$0x1] =	stream.indirect.gather [hbm4b:s5+s13], $0x40, s19, s13, $0xb8;
	[tilespmem:$0x10DD0] =	vst v63  }
0x22: {  	_ = 	snop  }
0x23: {  	[tilespmem:s22], [sflag:$0x1] =	stream.indirect.gather [hbm4b:s6+s13], $0x40, s21, s13, $0xb8;
	[tilespmem:$0x10DD0] =	vst v63  }
0x24: {  	_ = 	snop  }
0x25: {  	[tilespmem:s24], [sflag:$0x1] =	stream.indirect.gather [hbm4b:s5+s13], $0x40, s23, s13, $0xb8;
	[tilespmem:$0x10DD0] =	vst v63  }
0x26: {  	_ = 	snop  }
0x27: {  	[tilespmem:s26], [sflag:$0x1] =	stream.indirect.gather [hbm4b:s6+s13], $0x40, s25, s13, $0xb8;
	[tilespmem:$0x10DD0] =	vst v63  }
0x28: {  	s15 =	rddreg [dreg:$0x3]  }
0x29: {  	[tilespmem:s28], [sflag:$0x2] =	stream.linear.gather [hbm4b:s15+s4], $0x3E8, $0x38;
	[tilespmem:$0x10DD0] =	vst v63  }
0x2a: {  	_ =	swait.ge [sflag:s11], $0x3E8  }
0x2b: {  	[sflag:s11] =	ssyncset.done $0x0  }
0x2c: {  	[sflag:s11] =	ssyncadd.s32 $0xFFFFFC18  }
0x2d: {  	s16 =	rddreg [dreg:$0x4]  }
0x2e: {  	[tilespmem:s29], [sflag:$0x2] =	stream.linear.gather [hbm4b:s16+s4], $0x3E8, $0x38;
	[tilespmem:$0x10DD0] =	vst v63  }
0x2f: {  	_ =	swait.ge [sflag:s11], $0x3E8  }
0x30: {  	[sflag:s11] =	ssyncset.done $0x0  }
0x31: {  	[sflag:s11] =	ssyncadd.s32 $0xFFFFFC18  }
0x32: {  	_ =	swait.ge [sflag:s30], $0x2000  }
0x33: {  	[sflag:s30] =	ssyncset.done $0x0  }
0x34: {  	[sflag:s30] =	ssyncadd.s32 $0xFFFFE000  }
0x35: {  	_ =	swait.ge [sflag:s30], $0x2000  }
0x36: {  	[sflag:s30] =	ssyncset.done $0x0  }
0x37: {  	[sflag:s30] =	ssyncadd.s32 $0xFFFFE000  }
0x38: {  	_ =	swait.ge [sflag:s30], $0x2000  }
0x39: {  	[sflag:s30] =	ssyncset.done $0x0  }
0x3a: {  	[sflag:s30] =	ssyncadd.s32 $0xFFFFE000  }
0x3b: {  	_ =	swait.ge [sflag:s30], $0x2000  }
0x3c: {  	[sflag:s30] =	ssyncset.done $0x0  }
0x3d: {  	[sflag:s30] =	ssyncadd.s32 $0xFFFFE000  }
0x3e: {  	_ =	swait.ge [sflag:s30], $0x2000  }
0x3f: {  	[sflag:s30] =	ssyncset.done $0x0  }
0x40: {  	[sflag:s30] =	ssyncadd.s32 $0xFFFFE000  }
0x41: {  	_ =	swait.ge [sflag:s30], $0x2000  }
0x42: {  	[sflag:s30] =	ssyncset.done $0x0  }
0x43: {  	[sflag:s30] =	ssyncadd.s32 $0xFFFFE000  }
0x44: {  	_ =	swait.ge [sflag:s30], $0x2000  }
0x45: {  	[sflag:s30] =	ssyncset.done $0x0  }
0x46: {  	[sflag:s30] =	ssyncadd.s32 $0xFFFFE000  }
0x47: {  	_ =	swait.ge [sflag:s30], $0x2000  }
0x48: {  	s2 =	simm.s32 $0x0;
	[sflag:s30] =	ssyncset.done $0x0  }
0x49: {  	s1 =	simm.s32 $0x10BD0;
	s3 =	simm.s32 $0x0;
	[sflag:s30] =	ssyncadd.s32 $0xFFFFE000  }
.LBB2_2:
0x4a: {  	s14 =	sshrl.u32 s2, $0x3  }
0x4b: {  	s15 =	sand.u32 $0x70, s3;
	s16 =	sshll.u32 s14, $0x7  }
0x4c: {  	s16 =	sor.u32 s15, s16  }
0x4d: {  	s14 =	sshll.u32 s14, $0xD;
	s15 =	sshll.u32 s15, $0x6;
	v0 =	vld [tilespmem:s16+$0x0]  }
0x4e: {  	v1 =	vld [tilespmem:s16+$0x200];
	s14 =	sor.u32 s14, s15  }
0x4f: {  	v2 =	vld [tilespmem:s14+$0x400]  }
0x50: {  	v3 =	vld [tilespmem:s14+$0x8400]  }
0x51: {  	v4 =	vld [tilespmem:s14+$0x410]  }
0x52: {  	v5 =	vld [tilespmem:s14+$0x8410]  }
0x53: {  	v6 =	vld [tilespmem:s14+$0x420]  }
0x54: {  	v7 =	vld [tilespmem:s14+$0x8420]  }
0x55: {  	v8 =	vld [tilespmem:s14+$0x430]  }
0x56: {  	v9 =	vld [tilespmem:s14+$0x8430]  }
0x57: {  	v10 =	vld [tilespmem:s14+$0x440]  }
0x58: {  	v11 =	vld [tilespmem:s14+$0x8440]  }
0x59: {  	v12 =	vld [tilespmem:s14+$0x450]  }
0x5a: {  	v13 =	vld [tilespmem:s14+$0x8450]  }
0x5b: {  	v14 =	vld [tilespmem:s14+$0x460]  }
0x5c: {  	v15 =	vld [tilespmem:s14+$0x8460]  }
0x5d: {  	v16 =	vld [tilespmem:s14+$0x470]  }
0x5e: {  	v17 =	vld [tilespmem:s14+$0x8470]  }
0x5f: {  	v18 =	vld [tilespmem:s14+$0x480]  }
0x60: {  	v19 =	vld [tilespmem:s14+$0x8480]  }
0x61: {  	v20 =	vld [tilespmem:s14+$0x490]  }
0x62: {  	v21 =	vld [tilespmem:s14+$0x8490]  }
0x63: {  	v22 =	vld [tilespmem:s14+$0x4A0]  }
0x64: {  	v23 =	vld [tilespmem:s14+$0x84A0]  }
0x65: {  	v24 =	vld [tilespmem:s14+$0x4B0]  }
0x66: {  	v25 =	vld [tilespmem:s14+$0x84B0]  }
0x67: {  	v26 =	vld [tilespmem:s14+$0x4C0]  }
0x68: {  	v27 =	vld [tilespmem:s14+$0x84C0]  }
0x69: {  	v28 =	vld [tilespmem:s14+$0x4D0]  }
0x6a: {  	v29 =	vld [tilespmem:s14+$0x84D0]  }
0x6b: {  	v33 =	vld [tilespmem:s14+$0x4E0]  }
0x6c: {  	v31 =	vld [tilespmem:s14+$0x84E0]  }
0x6d: {  	v62 =	vld [tilespmem:s14+$0x4F0]  }
0x6e: {  	v63 =	vld [tilespmem:s14+$0x84F0]  }
0x6f: {  	v34 =	vld [tilespmem:s14+$0x500]  }
0x70: {  	v35 =	vld [tilespmem:s14+$0x8500]  }
0x71: {  	v36 =	vld [tilespmem:s14+$0x510]  }
0x72: {  	v37 =	vld [tilespmem:s14+$0x8510]  }
0x73: {  	v49 =	vld [tilespmem:s14+$0x8520]  }
0x74: {  	v30 =	vld [tilespmem:s14+$0x530]  }
0x75: {  	v56 =	vld [tilespmem:s14+$0x8530]  }
0x76: {  	v42 =	vld [tilespmem:s14+$0x540]  }
0x77: {  	v43 =	vld [tilespmem:s14+$0x8540]  }
0x78: {  	v44 =	vld [tilespmem:s14+$0x550]  }
0x79: {  	v45 =	vld [tilespmem:s14+$0x8550]  }
0x7a: {  	v46 =	vld [tilespmem:s14+$0x560]  }
0x7b: {  	v47 =	vld [tilespmem:s14+$0x8560]  }
0x7c: {  	v32 =	vld [tilespmem:s14+$0x570]  }
0x7d: {  	v38 =	vld [tilespmem:s14+$0x8570]  }
0x7e: {  	v50 =	vld [tilespmem:s14+$0x580]  }
0x7f: {  	v51 =	vld [tilespmem:s14+$0x8580]  }
0x80: {  	v52 =	vld [tilespmem:s14+$0x590]  }
0x81: {  	v53 =	vld [tilespmem:s14+$0x8590]  }
0x82: {  	v55 =	vld [tilespmem:s14+$0x85A0]  }
0x83: {  	v39 =	vld [tilespmem:s14+$0x5B0]  }
0x84: {  	v40 =	vld [tilespmem:s14+$0x85B0]  }
0x85: {  	v58 =	vld [tilespmem:s14+$0x5C0]  }
0x86: {  	v59 =	vld [tilespmem:s14+$0x85C0]  }
0x87: {  	v60 =	vld [tilespmem:s14+$0x5D0]  }
0x88: {  	v61 =	vld [tilespmem:s14+$0x85D0]  }
0x89: {  	v41 =	vld [tilespmem:s14+$0x5E0]  }
0x8a: {  	v48 =	vld [tilespmem:s14+$0x85E0]  }
0x8b: {  	v54 =	vld [tilespmem:s14+$0x5F0]  }
0x8c: {  	v57 =	vld [tilespmem:s14+$0x85F0]  }
0x8d: {  	[tilespmem:$0x1FF20] =	vst v62;
	v62 =	vld [tilespmem:s14+$0x520]  }
0x8e: {  	[tilespmem:$0x1FF30] =	vst v63;
	v63 =	vld [tilespmem:s14+$0x5A0]  }
0x8f: {  	[tilespmem:$0x1FF60] =	vst v38;
	v38 =	vld [tilespmem:s14+$0x600]  }
0x90: {  	[tilespmem:$0x1FF40] =	vst v30;
	v30 =	vld [tilespmem:s14+$0x8600]  }
0x91: {  	[tilespmem:$0x1FF50] =	vst v32;
	v32 =	vld [tilespmem:s14+$0x610]  }
0x92: {  	[tilespmem:$0x1FFC0] =	vst v57;
	v57 =	vld [tilespmem:s14+$0x620]  }
0x93: {  	[tilespmem:$0x1FFA0] =	vst v48;
	v48 =	vld [tilespmem:s14+$0x8620]  }
0x94: {  	[tilespmem:$0x1FF70] =	vst v39;
	v39 =	vld [tilespmem:s14+$0x630]  }
0x95: {  	[tilespmem:$0x1FFB0] =	vst v54;
	v54 =	vld [tilespmem:s14+$0x640]  }
0x96: {  	[tilespmem:$0x1FF80] =	vst v40;
	v40 =	vld [tilespmem:s14+$0x8640]  }
0x97: {  	[tilespmem:$0x1FF90] =	vst v41;
	v41 =	vld [tilespmem:s14+$0x650]  }
0x98: {  	v2 =	vmul.f32 v3, v2;
	v3 =	vmul.f32 v5, v4;
	v4 =	vld [tilespmem:s14+$0x8660]  }
0x99: {  	v5 =	vmul.f32 v11, v10;
	v11 =	vld [tilespmem:s14+$0x670]  }
0x9a: {  	v12 =	vmul.f32 v13, v12;
	v13 =	vmul.f32 v7, v6;
	v6 =	vld [tilespmem:s14+$0x8670]  }
0x9b: {  	v7 =	vmul.f32 v9, v8;
	v9 =	vld [tilespmem:s14+$0x680]  }
0x9c: {  	v10 =	vld [tilespmem:s14+$0x8690]  }
0x9d: {  	v8 =	vmul.f32 v15, v14;
	v14 =	vld [tilespmem:s14+$0x6C0]  }
0x9e: {  	v18 =	vmul.f32 v19, v18;
	v15 =	vld [tilespmem:s14+$0x6D0]  }
0x9f: {  	v19 =	vmul.f32 v21, v20;
	v20 =	vmul.f32 v17, v16;
	v16 =	vld [tilespmem:s14+$0x86D0]  }
0xa0: {  	v17 =	vld [tilespmem:s14+$0x6E0]  }
0xa1: {  	v26 =	vmul.f32 v27, v26;
	v27 =	vmul.f32 v29, v28;
	v29 =	vld [tilespmem:s14+$0x8710]  }
0xa2: {  	v50 =	vmul.f32 v51, v50;
	v51 =	vmul.f32 v53, v52;
	v52 =	vld [tilespmem:$0x1FF50]  }
0xa3: {  	v53 =	vld [tilespmem:$0x1FF60]  }
0xa4: {  	v0 =	vld.idx.msk [tilespmem:v0+s28+$0x0], $0xffff  }
0xa5: {  	v1 =	vld.idx.msk [tilespmem:v1+s29+$0x0], $0xffff  }
0xa6: {  	v5 =	vadd.f32 v12, v5;
	v12 =	vld [tilespmem:s14+$0x8680]  }
0xa7: {  	v2 =	vadd.f32 v3, v2;
	v3 =	vadd.f32 v19, v18;
	v18 =	vld [tilespmem:s14+$0x86E0]  }
0xa8: {  	v19 =	vld [tilespmem:s14+$0x6F0]  }
0xa9: {  	v26 =	vadd.f32 v27, v26;
	v27 =	vmul.f32 v31, v33;
	v31 =	vld [tilespmem:s14+$0x8720]  }
0xaa: {  	v33 =	vmul.f32 v37, v36;
	v36 =	vld [tilespmem:s14+$0x8730]  }
0xab: {  	v37 =	vld [tilespmem:$0x1FF20]  }
0xac: {  	v21 =	vmul.f32 v23, v22;
	v2 =	vadd.f32 v13, v2;
	v13 =	vld [tilespmem:s14+$0x690]  }
0xad: {  	v5 =	vadd.f32 v8, v5;
	v8 =	vld [tilespmem:s14+$0x6A0]  }
0xae: {  	v22 =	vadd.f32 v21, v3;
	v3 =	vld [tilespmem:s14+$0x86B0]  }
0xaf: {  	v21 =	vld [tilespmem:s14+$0x86F0]  }
0xb0: {  	v26 =	vadd.f32 v27, v26;
	v27 =	vmul.f32 v43, v42;
	v42 =	vld [tilespmem:s14+$0x740];
	v2 =	vadd.f32 v7, v2  }
0xb1: {  	v23 =	vmul.f32 v25, v24;
	[tilespmem:$0x1FFD0] =	vst v39;
	v39 =	vld [tilespmem:s14+$0x8650]  }
0xb2: {  	v62 =	vmul.f32 v49, v62;
	v49 =	vmul.f32 v47, v46;
	v46 =	vld [tilespmem:s14+$0x750];
	v5 =	vadd.f32 v20, v5;
	(xrf2) =	vadd.scan.msk.f32 $0xffff, v2  }
0xb3: {  	v47 =	vld [tilespmem:s14+$0x8770]  }
0xb4: {  	[tilespmem:$0x1FF10] =	vst v0;
	v0 =	vld [tilespmem:s14+$0x8630];
	v2 =	vadd.f32 v23, v22;
	(xrf2) =	vadd.scan.msk.f32 $0xffff, v5  }
0xb5: {  	v40 =	vmul.f32 v40, v54;
	v54 =	vld [tilespmem:s14+$0x7B0]  }
0xb6: {  	[tilespmem:$0x1FF00] =	vst v1;
	v1 =	vld [tilespmem:s14+$0x8610];
	(xrf2) =	vadd.scan.msk.f32 $0xffff, v2  }
0xb7: {  	v24 =	vld [tilespmem:$0x1FF00]  }
0xb8: {  	v25 =	vld [tilespmem:$0x1FF10]  }
0xb9: {  	[tilespmem:$0x1FFE0] =	vst v0;
	v0 =	vld [tilespmem:s14+$0x660]  }
0xba: {  	v7 =	vld [tilespmem:s14+$0x86A0]  }
0xbb: {  	v5 =	vld [tilespmem:s14+$0x6B0]  }
0xbc: {  	v2 =	vld [tilespmem:s14+$0x86C0];
	v20, _, _ =	vpop (xrf2)  }
0xbd: {  	v39 =	vmul.f32 v39, v41;
	v41 =	vld [tilespmem:s14+$0x8780];
	v22 =	vadd.f32 v24, v25;
	v20 =	vbroadcast v20, $0xF  }
0xbe: {  	v1 =	vmul.f32 v1, v32;
	v32 =	vld [tilespmem:s14+$0x770];
	[tilespmem:$0x1FFF0] =	vst v0;
	v0, _, _ =	vpop (xrf2)  }
0xbf: {  	v24 =	vld [tilespmem:s14+$0x700];
	v23 =	vbroadcast v0, $0xF;
	v20 =	vadd.f32 v20, v22  }
0xc0: {  	v25 =	vld [tilespmem:s14+$0x8700];
	v28, _, _ =	vpop (xrf2)  }
0xc1: {  	v0 =	vld [tilespmem:s14+$0x710];
	v23 =	vadd.f32 v23, v22;
	v20 =	vsel vm0, v20, v22;
	v22 =	vbroadcast v28, $0xF  }
0xc2: {  	v28 =	vld [tilespmem:s14+$0x720]  }
0xc3: {  	v23 =	vsel vm1, v20, v23;
	v20 =	vadd.f32 v22, v20;
	v22 =	vmul.f32 v35, v34;
	v34 =	vld [tilespmem:s14+$0x730]  }
0xc4: {  	v35 =	vmul.f32 v45, v44;
	v45 =	vld [tilespmem:$0x1FF30]  }
0xc5: {  	v44 =	vld [tilespmem:s14+$0x8740]  }
0xc6: {  	v27 =	vadd.f32 v35, v27;
	v35 =	vmul.f32 v53, v52;
	v52 =	vld [tilespmem:$0x1FF70]  }
0xc7: {  	v53 =	vld [tilespmem:$0x1FF80]  }
0xc8: {  	v22 =	vadd.f32 v33, v22;
	v33 =	vadd.f32 v51, v50;
	v51 =	vld [tilespmem:s14+$0x7A0]  }
0xc9: {  	v27 =	vadd.f32 v49, v27;
	v49 =	vld [tilespmem:s14+$0x8760]  }
0xca: {  	v22 =	vadd.f32 v62, v22;
	v62 =	vmul.f32 v59, v58;
	v58 =	vld [tilespmem:$0x1FFB0]  }
0xcb: {  	v37 =	vmul.f32 v45, v37;
	v45 =	vld [tilespmem:$0x1FF40]  }
0xcc: {  	v59 =	vld [tilespmem:$0x1FFC0]  }
0xcd: {  	v26 =	vadd.f32 v37, v26;
	v37 =	vld [tilespmem:s14+$0x8750]  }
0xce: {  	v30 =	vmul.f32 v30, v38;
	v38 =	vmul.f32 v53, v52;
	v52 =	vld [tilespmem:s14+$0x87A0]  }
0xcf: {  	v9 =	vmul.f32 v12, v9;
	v10 =	vmul.f32 v10, v13;
	(xrf2) =	vadd.scan.msk.f32 $0xffff, v26;
	v26 =	vld [tilespmem:s14+$0x7E0]  }
0xd0: {  	v43 =	vmul.f32 v56, v45;
	v56 =	vmul.f32 v55, v63;
	v45 =	vld [tilespmem:s14+$0x760]  }
0xd1: {  	v6 =	vmul.f32 v6, v11;
	v21 =	vmul.f32 v21, v19;
	v55 =	vld [tilespmem:$0x1FF90]  }
0xd2: {  	v7 =	vmul.f32 v7, v8;
	v9 =	vadd.f32 v10, v9;
	v33 =	vadd.f32 v56, v33;
	v56 =	vld [tilespmem:$0x1FFA0]  }
0xd3: {  	v39 =	vadd.f32 v39, v40;
	v63 =	vmul.f32 v61, v60;
	v60 =	vmul.f32 v48, v57;
	v48 =	vld [tilespmem:s14+$0x780]  }
0xd4: {  	v7 =	vadd.f32 v7, v9;
	v1 =	vadd.f32 v1, v30;
	v3 =	vmul.f32 v3, v5;
	v61 =	vld [tilespmem:$0x1FFD0]  }
0xd5: {  	v2 =	vmul.f32 v2, v14;
	v27 =	vadd.f32 v35, v27;
	v35 =	vadd.f32 v63, v62;
	v63 =	vld [tilespmem:$0x1FFF0]  }
0xd6: {  	v3 =	vadd.f32 v3, v7;
	v32 =	vmul.f32 v47, v32;
	v53 =	vmul.f32 v16, v15;
	v62 =	vld [tilespmem:$0x1FFE0]  }
0xd7: {  	v50 =	vmul.f32 v59, v58;
	v57 =	vld [tilespmem:s14+$0x7C0];
	v22 =	vadd.f32 v43, v22;
	v43 =	vmul.f32 v56, v55  }
0xd8: {  	v2 =	vadd.f32 v53, v2;
	v58 =	vmul.f32 v18, v17;
	v1 =	vadd.f32 v60, v1;
	v60 =	vld [tilespmem:s14+$0x87C0]  }
0xd9: {  	v0 =	vmul.f32 v29, v0;
	v33 =	vadd.f32 v38, v33;
	v38 =	vld [tilespmem:s14+$0x790];
	(xrf2) =	vadd.scan.msk.f32 $0xffff, v22;
	v35 =	vadd.f32 v43, v35  }
0xda: {  	v59 =	vmul.f32 v31, v28;
	v2 =	vadd.f32 v58, v2;
	v22 =	vld [tilespmem:s14+$0x87D0];
	(xrf2) =	vadd.scan.msk.f32 $0xffff, v27;
	v4 =	vmul.f32 v4, v63  }
0xdb: {  	v8 =	vmul.f32 v52, v51;
	v30 =	vmul.f32 v62, v61;
	v35 =	vadd.f32 v50, v35;
	v50 =	vld [tilespmem:s14+$0x8790]  }
0xdc: {  	v28 =	vmul.f32 v41, v48;
	(xrf2) =	vadd.scan.msk.f32 $0xffff, v33;
	v55 =	vmul.f32 v25, v24;
	v63 =	vld [tilespmem:s14+$0x7D0];
	v4 =	vadd.f32 v4, v39  }
0xdd: {  	v56 =	vld [tilespmem:s14+$0x87B0];
	v61 =	vmul.f32 v44, v42;
	v62 =	vmul.f32 v37, v46;
	v1 =	vadd.f32 v30, v1;
	(xrf2) =	vadd.scan.msk.f32 $0xffff, v35  }
0xde: {  	v24 =	vmul.f32 v36, v34;
	v25 =	vmul.f32 v49, v45;
	v30 =	vld [tilespmem:s14+$0x87E0];
	v4 =	vadd.f32 v6, v4  }
0xdf: {  	v37 =	vmul.f32 v60, v57;
	v0 =	vadd.f32 v0, v55;
	v7 =	vadd.f32 v62, v61;
	v33, _, _ =	vpop (xrf2);
	(xrf2) =	vadd.scan.msk.f32 $0xffff, v1  }
0xe0: {  	v27 =	vadd.f32 v21, v2;
	v34 =	vbroadcast v33, $0xF;
	(xrf2) =	vadd.scan.msk.f32 $0xffff, v4;
	v29 =	vmul.f32 v50, v38  }
0xe1: {  	v39 =	vld [tilespmem:s14+$0x87F0];
	v0 =	vadd.f32 v59, v0;
	v31 =	vadd.f32 v25, v7;
	v6 =	vmul.f32 v22, v63  }
0xe2: {  	v41 =	vmul.f32 v56, v54;
	v42 =	vadd.f32 v34, v23;
	v35 =	vld [tilespmem:s14+$0x7F0];
	(xrf2) =	vadd.scan.msk.f32 $0xffff, v3;
	v2 =	vadd.f32 v29, v28  }
0xe3: {  	v0 =	vadd.f32 v24, v0;
	v43 =	vmul.f32 v30, v26;
	v4 =	vadd.f32 v6, v37;
	v38, _, _ =	vpop (xrf2);
	(xrf2) =	vadd.scan.msk.f32 $0xffff, v27  }
0xe4: {  	v36 =	vadd.f32 v32, v31;
	v5 =	vbroadcast v38, $0xF;
	v44, _, _ =	vpop (xrf2);
	v40 =	vadd.f32 v8, v2  }
0xe5: {  	v45 =	vsel vm2, v23, v20;
	v48 =	vadd.f32 v43, v4;
	(xrf2) =	vadd.scan.msk.f32 $0xffff, v0;
	v46 =	vbroadcast v44, $0xF  }
0xe6: {  	v6 =	vsel vm3, v45, v42;
	v47, _, _ =	vpop (xrf2);
	v5 =	vadd.f32 v5, v23;
	(xrf2) =	vadd.scan.msk.f32 $0xffff, v36;
	v1 =	vadd.f32 v41, v40  }
0xe7: {  	v50 =	vmul.f32 v39, v35;
	v49 =	vbroadcast v47, $0xF;
	v0 =	vadd.f32 v46, v6;
	v51, _, _ =	vpop (xrf2)  }
0xe8: {  	v5 =	vsel vm4, v6, v5;
	v52 =	vbroadcast v51, $0xF;
	(xrf2) =	vadd.scan.msk.f32 $0xffff, v1  }
0xe9: {  	v2 =	vadd.f32 v50, v48;
	v0 =	vsel vm5, v5, v0;
	v3 =	vadd.f32 v49, v5;
	v53, _, _ =	vpop (xrf2)  }
0xea: {  	v1 =	vbroadcast v53, $0xF;
	v55, _, _ =	vpop (xrf2);
	v54 =	vadd.f32 v52, v0  }
0xeb: {  	v3 =	vsel vm6, v0, v3;
	(xrf2) =	vadd.scan.msk.f32 $0xffff, v2;
	v5 =	vbroadcast v55, $0xF  }
0xec: {  	v56, _, _ =	vpop (xrf2);
	v0 =	vadd.f32 v1, v0;
	v3 =	vsel vm7, v3, v54  }
0xed: {  	v57, _, _ =	vpop (xrf2);
	v2 =	vbroadcast v56, $0xF;
	v4 =	vadd.f32 v5, v3  }
0xee: {  	v1 =	vbroadcast v57, $0xF;
	v0 =	vsel vm8, v3, v0  }
0xef: {  	v58, _, _ =	vpop (xrf2);
	v4 =	vsel vm9, v0, v4;
	v0 =	vadd.f32 v2, v0  }
0xf0: {  	v59, _, _ =	vpop (xrf2);
	v3 =	vbroadcast v58, $0xF;
	v1 =	vadd.f32 v1, v4  }
0xf1: {  	v2 =	vbroadcast v59, $0xF;
	v0 =	vsel vm10, v4, v0  }
0xf2: {  	v61 =	vadd.f32 v3, v4;
	v60, _, _ =	vpop (xrf2);
	v0 =	vsel vm11, v0, v1  }
0xf3: {  	v2 =	vadd.f32 v2, v0;
	v62 =	vbroadcast v60, $0xF  }
0xf4: {  	p0 =	sne.s32 s2, $0x1F;
	v0 =	vsel vm12, v0, v61  }
.Ltmp0:
0xf5: {  	v63, _, _ =	vpop (xrf2);
	v1 =	vsel vm13, v0, v2;
	v0 =	vadd.f32 v62, v0;
	(pc) =	sbr.rel @p0 .LBB2_2-.Ltmp0, $4  }
0xf6: {  	v2 =	vadd.f32 v63, v1  }
0xf7: {  	v0 =	vsel vm14, v1, v0  }
0xf8: {  	v0 =	vsel vm15, v0, v2  }
0xf9: {  	s3 =	sadd.s32 $0x10, s3;
	s2 =	sadd.s32 $0x1, s2;
	[tilespmem:s1+$0x0] =	vst v0;
	s1 =	sadd.s32 $0x10, s1  }
0xfa: {  	s0 =	sadd.s32 $0x1, s0  }
0xfb: {  	p0 =	sne.s32 s0, s10  }
.Ltmp1:
0xfc: {  	_ = 	snop;
	(pc) =	sbr.rel @p0 .LBB2_1-.Ltmp1, $4  }
0xfd: {  	[hbm4b:s9+s4] =	stream.linear.scatter [tilespmem:s31], [sflag:$0x2], $0x200, $0x38;
	[tilespmem:$0x10DD0] =	vst v63  }
0xfe: {  	_ =	swait.ge [sflag:s11], $0x200  }
0xff: {  	[sflag:s11] =	ssyncset.done $0x0  }
0x100: {  	[sflag:s11] =	ssyncadd.s32 $0xFFFFFE00  }
0x101: {  	_ =	sfence.sel $0x180000  }
0x102: {  	[bflag:$0x0] =	sbarrier.arrive $0xFFFF  }
0x103: {  	_ =	strace $0x90000047  }
0x104: {  	s0 =	stileid.u32;
	[bflag:$0x2] =	sbarrier.arrive $0xFFFF  }
0x105: {  	p0 =	sne.s32 s0, $0x0;
	s0 =	rddreg [dreg:$0x6]  }
0x106: {  	s0 =	sadd.s32 @!p0 $0x100000, s0  }
0x107: {  	[sflag:s0] =	ssyncadd.tile.s32 @!p0 $0x1;
	_ =	shalt  }
.Lfunc_end2:
_tile_overlayer_lowered:
.L_overlay_start_2:
0x108: {  	(tag) =	ssettag $0x2  }
0x109: {  	s0 =	rddreg [dreg:$0x0];
	s2 =	stileid.u32  }
0x10a: {  	s1 =	rddreg [dreg:$0x1];
	p0 =	sne.s32 s2, $0x0  }
0x10b: {  	s3 =	rddreg [dreg:$0x2];
	[bflag:$0x3] =	sbarrier.arrive $0xFFFF;
	s2 =	simm.s32 @!p0 $0x1C02  }
0x10c: {  	[timem:s3], [sflag:s2] =	dma.local @!p0 [hbm:s0], s1  }
0x10d: {  	s0 =	simm.s32 @!p0 $0x2  }
0x10e: {  	_ =	swait.ge @!p0 [sflag:s0], s1  }
0x10f: {  	s1 =	ssub.s32 @!p0 $0x0, s1;
	[sflag:s0] =	ssyncset.done @!p0 $0x0  }
0x110: {  	[sflag:s0] =	ssyncadd.s32 @!p0 s1  }
0x111: {  	[bflag:$0x3] =	sbarrier.arrive $0xFFFF  }
0x112: {  	_ =	shalt  }

</sc_bundles>
